<compile_context>
chip_gen: v7x
topology: tpu7x:2x2x1
jax: 0.10.2.dev20260603
libtpu: 0.0.44.dev20260713+nightly
codegen_flags: <defaults>
</compile_context>

<pallas_src>
import jax
import jax.numpy as jnp
from jax import lax
from jax.experimental import pallas as pl
from jax.experimental.pallas import tpu as pltpu
from jax.experimental.pallas import tpu_sc as plsc

B = 1024
READOUT_DIM = 16384
TOTAL = B * READOUT_DIM
NC, NS, L = 2, 16, 16
NW = NC * NS
FR, FI = 4, 8
NF = FR * FI
PLANE = TOTAL // FR
SN = 512
STEP_ELEMS = SN * FI
W_NODES = 16384
STEPS = W_NODES // SN
ROW = READOUT_DIM
PITCH = 17
GROUPS = SN // L
NBUF = 2


def _sc_body(f_hbm, w_hbm, o_hbm, fv0, fv1, wv0, wv1, ov0, ov1, mb,
             semf, semw, semo):
    fvs = (fv0, fv1)
    wvs = (wv0, wv1)
    ovs = (ov0, ov1)
    wid = lax.axis_index("s") * NC + lax.axis_index("c")
    in_base = wid * (W_NODES * FI)
    row_base = wid * STEPS

    def start_in(s, b):
        for fr in range(FR):
            a = fr * PLANE + in_base + s * STEP_ELEMS
            d = pl.ds(fr * STEP_ELEMS, STEP_ELEMS)
            pltpu.make_async_copy(f_hbm.at[pl.ds(a, STEP_ELEMS)], fvs[b].at[d], semf.at[b]).start()
            pltpu.make_async_copy(w_hbm.at[pl.ds(a, STEP_ELEMS)], wvs[b].at[d], semw.at[b]).start()

    def wait_in(s, b):
        for fr in range(FR):
            a = fr * PLANE + in_base + s * STEP_ELEMS
            d = pl.ds(fr * STEP_ELEMS, STEP_ELEMS)
            pltpu.make_async_copy(f_hbm.at[pl.ds(a, STEP_ELEMS)], fvs[b].at[d], semf.at[b]).wait()
            pltpu.make_async_copy(w_hbm.at[pl.ds(a, STEP_ELEMS)], wvs[b].at[d], semw.at[b]).wait()

    def start_out(s, b):
        g = row_base + s
        pltpu.make_async_copy(ovs[b], o_hbm.at[g >> 3, :, g & 7, :], semo.at[b]).start()

    def wait_out(s, b):
        g = row_base + s
        pltpu.make_async_copy(ovs[b], o_hbm.at[g >> 3, :, g & 7, :], semo.at[b]).wait()

    lanes = lax.iota(jnp.int32, L)
    lanes17 = lanes * PITCH

    start_in(0, 0)

    @pl.loop(0, STEPS, step=NBUF)
    def outer(s0):
        for b in range(NBUF):
            s = s0 + b

            @pl.when(s + 1 < STEPS)
            def _():
                start_in(s + 1, 1 - b)

            wait_in(s, b)

            @pl.when(s >= NBUF)
            def _():
                wait_out(s - NBUF, b)

            ob = ovs[b]
            fb, wb = fvs[b], wvs[b]

            @pl.loop(0, GROUPS)
            def _grp(g16):
                in_off = (g16 >> 3) * 1024 + (g16 & 7) * L

                @plsc.parallel_loop(0, NF, unroll=4, carry=lanes)
                def _p1(f, mrow):
                    off = (f >> 3) * STEP_ELEMS + (f & 7) * 128 + in_off
                    p = fb[pl.ds(off, L)] * wb[pl.ds(off, L)]
                    plsc.store_scatter(mb, [mrow], p)
                    return mrow + PITCH

                ov_base = g16 * (L * NF)

                @plsc.parallel_loop(0, L, unroll=4, carry=lanes17)
                def _p2(j, colA):
                    a = plsc.load_gather(mb, [colA])
                    c = plsc.load_gather(mb, [colA + L * PITCH])
                    o = ov_base + j * NF
                    row = o >> 7
                    col = o & 96
                    ob[row, pl.ds(col, L)] = a
                    ob[row, pl.ds(col + L, L)] = c
                    return colA + 1

            start_out(s, b)

    wait_out(STEPS - 2, 0)
    wait_out(STEPS - 1, 1)


def kernel(features, weights):
    def phys_flat(x):
        return x.reshape(4096, 128, FR, FI).transpose(2, 0, 3, 1).reshape(TOTAL)

    f2 = phys_flat(features)
    w2 = phys_flat(weights)
    mesh = plsc.VectorSubcoreMesh(
        core_axis_name="c", subcore_axis_name="s",
        num_cores=NC, num_subcores=NS)
    out = pl.kernel(
        _sc_body,
        out_type=jax.ShapeDtypeStruct((128, 128, 8, 128), jnp.float32),
        mesh=mesh,
        compiler_params=pltpu.CompilerParams(needs_layout_passes=False),
        scratch_types=[
            pltpu.VMEM((FR * STEP_ELEMS,), jnp.float32),
            pltpu.VMEM((FR * STEP_ELEMS,), jnp.float32),
            pltpu.VMEM((FR * STEP_ELEMS,), jnp.float32),
            pltpu.VMEM((FR * STEP_ELEMS,), jnp.float32),
            pltpu.VMEM((128, 128), jnp.float32),
            pltpu.VMEM((128, 128), jnp.float32),
            pltpu.VMEM((NF * PITCH,), jnp.float32),
            pltpu.SemaphoreType.DMA((NBUF,)),
            pltpu.SemaphoreType.DMA((NBUF,)),
            pltpu.SemaphoreType.DMA((NBUF,)),
        ],
    )(f2, w2)
    return out.transpose(0, 2, 1, 3).reshape(B, READOUT_DIM)

# --- scband reference (transcript-rebuilt; emitter-appended) ---
"""Pipeline reference for scband-spiral-readout-61005715472969 (READ-ONLY COPY).

The authoritative reference and input builder live on the scoring server;
editing this copy changes nothing except your own understanding.
"""

import jax, jax.numpy as jnp
import numpy as np

B = 1024
NODES_PER_GRAPH = 512
D_FEAT = 32
READOUT_DIM = NODES_PER_GRAPH * D_FEAT  # 16384


def setup_inputs(seed: int = 0) -> dict:
    key = jax.random.key(seed)
    k1, k2 = jax.random.split(key)
    features = jax.random.normal(k1, (B * NODES_PER_GRAPH, D_FEAT), dtype=jnp.float32)
    weights = jax.random.uniform(k2, (B * NODES_PER_GRAPH, D_FEAT), dtype=jnp.float32)
    return {"features": features, "weights": weights}


def reference(features, weights):
    # Faithful translation of SpiralReadout.forward with weights_names set:
    # for each graph i in the batch (all graphs have NODES_PER_GRAPH nodes,
    # a structural requirement of the original module since each flattened
    # feature vector must exactly fill readout_dim):
    #   spiral_readout[i] = graph.ndata[features].reshape(1, -1) * graph.ndata[weights]
    # Because the per-graph weight tensor has the same layout as the features,
    # this is an elementwise product followed by a per-graph flatten.
    weighted = features * weights                         # [B*n, d]
    per_graph = weighted.reshape(B, NODES_PER_GRAPH * D_FEAT)  # [B, readout_dim]
    spiral_readout = jnp.zeros((B, READOUT_DIM), dtype=features.dtype)
    spiral_readout = spiral_readout.at[jnp.arange(B)].set(per_graph)
    return spiral_readout

if __name__ == "__main__":
    import jax
    _d = setup_inputs()
    print(jax.jit(kernel)(*tuple(_d.values())))

</pallas_src>

<mosaic_0001>
#map = affine_map<(d0, d1) -> (0)>
#map1 = affine_map<(d0, d1) -> (0, 0, 0, 0)>
module attributes {stable_mosaic.version = 14 : i64} {
  func.func @_sc_body(%arg0: i32, %arg1: i32, %arg2: memref<16777216xf32, #tpu.memory_space<hbm>>, %arg3: memref<16777216xf32, #tpu.memory_space<hbm>>, %arg4: memref<128x128x8x128xf32, #tpu.memory_space<hbm>>, %arg5: memref<16384xf32, #tpu.memory_space<vmem>>, %arg6: memref<16384xf32, #tpu.memory_space<vmem>>, %arg7: memref<16384xf32, #tpu.memory_space<vmem>>, %arg8: memref<16384xf32, #tpu.memory_space<vmem>>, %arg9: memref<128x128xf32, #tpu.memory_space<vmem>>, %arg10: memref<128x128xf32, #tpu.memory_space<vmem>>, %arg11: memref<544xf32, #tpu.memory_space<vmem>>, %arg12: memref<2x!tpu.dma_semaphore, #tpu.memory_space<semaphore_mem>>, %arg13: memref<2x!tpu.dma_semaphore, #tpu.memory_space<semaphore_mem>>, %arg14: memref<2x!tpu.dma_semaphore, #tpu.memory_space<semaphore_mem>>) attributes {dimension_semantics = [#tpu.dimension_semantics<core_parallel>, #tpu.dimension_semantics<subcore_parallel>], iteration_bounds = array<i64: 2, 16>, scalar_prefetch = 0 : i64, scratch_operands = 10 : i64, tpu.core_type = #tpu.core_type<sc_vector_subcore>, window_params = [{transform_indices = #map}, {transform_indices = #map}, {transform_indices = #map1}]} {
    %mul3A = arith.constant 2 : i32
    %mul3A_0 = arith.muli %arg1, %mul3A : i32
    %add3A = arith.addi %mul3A_0, %arg0 : i32
    %mul3A_1 = arith.constant 131072 : i32
    %mul3A_2 = arith.muli %add3A, %mul3A_1 : i32
    %mul3A_3 = arith.constant 32 : i32
    %mul3A_4 = arith.muli %add3A, %mul3A_3 : i32
    %iota3A = tpu.iota {dimensions = array<i32: 0>} : vector<16xi32>
    %mul3A_5 = arith.constant 17 : i32
    %mul3A_6 = vector.broadcast %mul3A_5 : i32 to vector<16xi32>
    %mul3A_7 = arith.muli %iota3A, %mul3A_6 : vector<16xi32>
    %add3A_8 = arith.constant 0 : i32
    %add3A_9 = arith.addi %add3A_8, %mul3A_2 : i32
    %add3A_10 = arith.constant 0 : i32
    %add3A_11 = arith.addi %add3A_9, %add3A_10 : i32
    %dma_start3A = arith.constant 0 : i32
    %dma_start3A_12 = arith.constant 0 : i32
    %dma_start3A_13 = tpu.memref_slice %arg5[%dma_start3A_12] : memref<16384xf32, #tpu.memory_space<vmem>> -> memref<4096xf32, #tpu.memory_space<vmem>>
    %dma_start3A_14 = tpu.memref_slice %arg2[%add3A_11] : memref<16777216xf32, #tpu.memory_space<hbm>> -> memref<4096xf32, #tpu.memory_space<hbm>>
    %dma_start3A_15 = tpu.memref_slice %arg12[%dma_start3A] : memref<2x!tpu.dma_semaphore, #tpu.memory_space<semaphore_mem>> -> memref<1x!tpu.dma_semaphore, #tpu.memory_space<semaphore_mem>>
    %dma_start3A_16 = tpu.memref_squeeze %dma_start3A_15 : memref<1x!tpu.dma_semaphore, #tpu.memory_space<semaphore_mem>> -> memref<!tpu.dma_semaphore, #tpu.memory_space<semaphore_mem>>
    %dma_start3A_17 = arith.constant 0 : i32
    %dma_start3A_18 = tpu.memref_slice %arg5[%dma_start3A_17] : memref<16384xf32, #tpu.memory_space<vmem>> -> memref<4096xf32, #tpu.memory_space<vmem>>
    %dma_start3A_19 = tpu.memref_slice %arg2[%add3A_11] : memref<16777216xf32, #tpu.memory_space<hbm>> -> memref<4096xf32, #tpu.memory_space<hbm>>
    tpu.enqueue_dma source(%dma_start3A_19 : memref<4096xf32, #tpu.memory_space<hbm>>) target(%dma_start3A_18 : memref<4096xf32, #tpu.memory_space<vmem>>) target_semaphore(%dma_start3A_16 : memref<!tpu.dma_semaphore, #tpu.memory_space<semaphore_mem>>)
    %dma_start3A_20 = arith.constant 0 : i32
    %dma_start3A_21 = arith.constant 0 : i32
    %dma_start3A_22 = tpu.memref_slice %arg7[%dma_start3A_21] : memref<16384xf32, #tpu.memory_space<vmem>> -> memref<4096xf32, #tpu.memory_space<vmem>>
    %dma_start3A_23 = tpu.memref_slice %arg3[%add3A_11] : memref<16777216xf32, #tpu.memory_space<hbm>> -> memref<4096xf32, #tpu.memory_space<hbm>>
    %dma_start3A_24 = tpu.memref_slice %arg13[%dma_start3A_20] : memref<2x!tpu.dma_semaphore, #tpu.memory_space<semaphore_mem>> -> memref<1x!tpu.dma_semaphore, #tpu.memory_space<semaphore_mem>>
    %dma_start3A_25 = tpu.memref_squeeze %dma_start3A_24 : memref<1x!tpu.dma_semaphore, #tpu.memory_space<semaphore_mem>> -> memref<!tpu.dma_semaphore, #tpu.memory_space<semaphore_mem>>
    %dma_start3A_26 = arith.constant 0 : i32
    %dma_start3A_27 = tpu.memref_slice %arg7[%dma_start3A_26] : memref<16384xf32, #tpu.memory_space<vmem>> -> memref<4096xf32, #tpu.memory_space<vmem>>
    %dma_start3A_28 = tpu.memref_slice %arg3[%add3A_11] : memref<16777216xf32, #tpu.memory_space<hbm>> -> memref<4096xf32, #tpu.memory_space<hbm>>
    tpu.enqueue_dma source(%dma_start3A_28 : memref<4096xf32, #tpu.memory_space<hbm>>) target(%dma_start3A_27 : memref<4096xf32, #tpu.memory_space<vmem>>) target_semaphore(%dma_start3A_25 : memref<!tpu.dma_semaphore, #tpu.memory_space<semaphore_mem>>)
    %add3A_29 = arith.constant 4194304 : i32
    %add3A_30 = arith.addi %add3A_29, %mul3A_2 : i32
    %add3A_31 = arith.constant 0 : i32
    %add3A_32 = arith.addi %add3A_30, %add3A_31 : i32
    %dma_start3A_33 = arith.constant 0 : i32
    %dma_start3A_34 = arith.constant 4096 : i32
    %dma_start3A_35 = tpu.memref_slice %arg5[%dma_start3A_34] : memref<16384xf32, #tpu.memory_space<vmem>> -> memref<4096xf32, #tpu.memory_space<vmem>>
    %dma_start3A_36 = tpu.memref_slice %arg2[%add3A_32] : memref<16777216xf32, #tpu.memory_space<hbm>> -> memref<4096xf32, #tpu.memory_space<hbm>>
    %dma_start3A_37 = tpu.memref_slice %arg12[%dma_start3A_33] : memref<2x!tpu.dma_semaphore, #tpu.memory_space<semaphore_mem>> -> memref<1x!tpu.dma_semaphore, #tpu.memory_space<semaphore_mem>>
    %dma_start3A_38 = tpu.memref_squeeze %dma_start3A_37 : memref<1x!tpu.dma_semaphore, #tpu.memory_space<semaphore_mem>> -> memref<!tpu.dma_semaphore, #tpu.memory_space<semaphore_mem>>
    %dma_start3A_39 = arith.constant 4096 : i32
    %dma_start3A_40 = tpu.memref_slice %arg5[%dma_start3A_39] : memref<16384xf32, #tpu.memory_space<vmem>> -> memref<4096xf32, #tpu.memory_space<vmem>>
    %dma_start3A_41 = tpu.memref_slice %arg2[%add3A_32] : memref<16777216xf32, #tpu.memory_space<hbm>> -> memref<4096xf32, #tpu.memory_space<hbm>>
    tpu.enqueue_dma source(%dma_start3A_41 : memref<4096xf32, #tpu.memory_space<hbm>>) target(%dma_start3A_40 : memref<4096xf32, #tpu.memory_space<vmem>>) target_semaphore(%dma_start3A_38 : memref<!tpu.dma_semaphore, #tpu.memory_space<semaphore_mem>>)
    %dma_start3A_42 = arith.constant 0 : i32
    %dma_start3A_43 = arith.constant 4096 : i32
    %dma_start3A_44 = tpu.memref_slice %arg7[%dma_start3A_43] : memref<16384xf32, #tpu.memory_space<vmem>> -> memref<4096xf32, #tpu.memory_space<vmem>>
    %dma_start3A_45 = tpu.memref_slice %arg3[%add3A_32] : memref<16777216xf32, #tpu.memory_space<hbm>> -> memref<4096xf32, #tpu.memory_space<hbm>>
    %dma_start3A_46 = tpu.memref_slice %arg13[%dma_start3A_42] : memref<2x!tpu.dma_semaphore, #tpu.memory_space<semaphore_mem>> -> memref<1x!tpu.dma_semaphore, #tpu.memory_space<semaphore_mem>>
    %dma_start3A_47 = tpu.memref_squeeze %dma_start3A_46 : memref<1x!tpu.dma_semaphore, #tpu.memory_space<semaphore_mem>> -> memref<!tpu.dma_semaphore, #tpu.memory_space<semaphore_mem>>
    %dma_start3A_48 = arith.constant 4096 : i32
    %dma_start3A_49 = tpu.memref_slice %arg7[%dma_start3A_48] : memref<16384xf32, #tpu.memory_space<vmem>> -> memref<4096xf32, #tpu.memory_space<vmem>>
    %dma_start3A_50 = tpu.memref_slice %arg3[%add3A_32] : memref<16777216xf32, #tpu.memory_space<hbm>> -> memref<4096xf32, #tpu.memory_space<hbm>>
    tpu.enqueue_dma source(%dma_start3A_50 : memref<4096xf32, #tpu.memory_space<hbm>>) target(%dma_start3A_49 : memref<4096xf32, #tpu.memory_space<vmem>>) target_semaphore(%dma_start3A_47 : memref<!tpu.dma_semaphore, #tpu.memory_space<semaphore_mem>>)
    %add3A_51 = arith.constant 8388608 : i32
    %add3A_52 = arith.addi %add3A_51, %mul3A_2 : i32
    %add3A_53 = arith.constant 0 : i32
    %add3A_54 = arith.addi %add3A_52, %add3A_53 : i32
    %dma_start3A_55 = arith.constant 0 : i32
    %dma_start3A_56 = arith.constant 8192 : i32
    %dma_start3A_57 = tpu.memref_slice %arg5[%dma_start3A_56] : memref<16384xf32, #tpu.memory_space<vmem>> -> memref<4096xf32, #tpu.memory_space<vmem>>
    %dma_start3A_58 = tpu.memref_slice %arg2[%add3A_54] : memref<16777216xf32, #tpu.memory_space<hbm>> -> memref<4096xf32, #tpu.memory_space<hbm>>
    %dma_start3A_59 = tpu.memref_slice %arg12[%dma_start3A_55] : memref<2x!tpu.dma_semaphore, #tpu.memory_space<semaphore_mem>> -> memref<1x!tpu.dma_semaphore, #tpu.memory_space<semaphore_mem>>
    %dma_start3A_60 = tpu.memref_squeeze %dma_start3A_59 : memref<1x!tpu.dma_semaphore, #tpu.memory_space<semaphore_mem>> -> memref<!tpu.dma_semaphore, #tpu.memory_space<semaphore_mem>>
    %dma_start3A_61 = arith.constant 8192 : i32
    %dma_start3A_62 = tpu.memref_slice %arg5[%dma_start3A_61] : memref<16384xf32, #tpu.memory_space<vmem>> -> memref<4096xf32, #tpu.memory_space<vmem>>
    %dma_start3A_63 = tpu.memref_slice %arg2[%add3A_54] : memref<16777216xf32, #tpu.memory_space<hbm>> -> memref<4096xf32, #tpu.memory_space<hbm>>
    tpu.enqueue_dma source(%dma_start3A_63 : memref<4096xf32, #tpu.memory_space<hbm>>) target(%dma_start3A_62 : memref<4096xf32, #tpu.memory_space<vmem>>) target_semaphore(%dma_start3A_60 : memref<!tpu.dma_semaphore, #tpu.memory_space<semaphore_mem>>)
    %dma_start3A_64 = arith.constant 0 : i32
    %dma_start3A_65 = arith.constant 8192 : i32
    %dma_start3A_66 = tpu.memref_slice %arg7[%dma_start3A_65] : memref<16384xf32, #tpu.memory_space<vmem>> -> memref<4096xf32, #tpu.memory_space<vmem>>
    %dma_start3A_67 = tpu.memref_slice %arg3[%add3A_54] : memref<16777216xf32, #tpu.memory_space<hbm>> -> memref<4096xf32, #tpu.memory_space<hbm>>
    %dma_start3A_68 = tpu.memref_slice %arg13[%dma_start3A_64] : memref<2x!tpu.dma_semaphore, #tpu.memory_space<semaphore_mem>> -> memref<1x!tpu.dma_semaphore, #tpu.memory_space<semaphore_mem>>
    %dma_start3A_69 = tpu.memref_squeeze %dma_start3A_68 : memref<1x!tpu.dma_semaphore, #tpu.memory_space<semaphore_mem>> -> memref<!tpu.dma_semaphore, #tpu.memory_space<semaphore_mem>>
    %dma_start3A_70 = arith.constant 8192 : i32
    %dma_start3A_71 = tpu.memref_slice %arg7[%dma_start3A_70] : memref<16384xf32, #tpu.memory_space<vmem>> -> memref<4096xf32, #tpu.memory_space<vmem>>
    %dma_start3A_72 = tpu.memref_slice %arg3[%add3A_54] : memref<16777216xf32, #tpu.memory_space<hbm>> -> memref<4096xf32, #tpu.memory_space<hbm>>
    tpu.enqueue_dma source(%dma_start3A_72 : memref<4096xf32, #tpu.memory_space<hbm>>) target(%dma_start3A_71 : memref<4096xf32, #tpu.memory_space<vmem>>) target_semaphore(%dma_start3A_69 : memref<!tpu.dma_semaphore, #tpu.memory_space<semaphore_mem>>)
    %add3A_73 = arith.constant 12582912 : i32
    %add3A_74 = arith.addi %add3A_73, %mul3A_2 : i32
    %add3A_75 = arith.constant 0 : i32
    %add3A_76 = arith.addi %add3A_74, %add3A_75 : i32
    %dma_start3A_77 = arith.constant 0 : i32
    %dma_start3A_78 = arith.constant 12288 : i32
    %dma_start3A_79 = tpu.memref_slice %arg5[%dma_start3A_78] : memref<16384xf32, #tpu.memory_space<vmem>> -> memref<4096xf32, #tpu.memory_space<vmem>>
    %dma_start3A_80 = tpu.memref_slice %arg2[%add3A_76] : memref<16777216xf32, #tpu.memory_space<hbm>> -> memref<4096xf32, #tpu.memory_space<hbm>>
    %dma_start3A_81 = tpu.memref_slice %arg12[%dma_start3A_77] : memref<2x!tpu.dma_semaphore, #tpu.memory_space<semaphore_mem>> -> memref<1x!tpu.dma_semaphore, #tpu.memory_space<semaphore_mem>>
    %dma_start3A_82 = tpu.memref_squeeze %dma_start3A_81 : memref<1x!tpu.dma_semaphore, #tpu.memory_space<semaphore_mem>> -> memref<!tpu.dma_semaphore, #tpu.memory_space<semaphore_mem>>
    %dma_start3A_83 = arith.constant 12288 : i32
    %dma_start3A_84 = tpu.memref_slice %arg5[%dma_start3A_83] : memref<16384xf32, #tpu.memory_space<vmem>> -> memref<4096xf32, #tpu.memory_space<vmem>>
    %dma_start3A_85 = tpu.memref_slice %arg2[%add3A_76] : memref<16777216xf32, #tpu.memory_space<hbm>> -> memref<4096xf32, #tpu.memory_space<hbm>>
    tpu.enqueue_dma source(%dma_start3A_85 : memref<4096xf32, #tpu.memory_space<hbm>>) target(%dma_start3A_84 : memref<4096xf32, #tpu.memory_space<vmem>>) target_semaphore(%dma_start3A_82 : memref<!tpu.dma_semaphore, #tpu.memory_space<semaphore_mem>>)
    %dma_start3A_86 = arith.constant 0 : i32
    %dma_start3A_87 = arith.constant 12288 : i32
    %dma_start3A_88 = tpu.memref_slice %arg7[%dma_start3A_87] : memref<16384xf32, #tpu.memory_space<vmem>> -> memref<4096xf32, #tpu.memory_space<vmem>>
    %dma_start3A_89 = tpu.memref_slice %arg3[%add3A_76] : memref<16777216xf32, #tpu.memory_space<hbm>> -> memref<4096xf32, #tpu.memory_space<hbm>>
    %dma_start3A_90 = tpu.memref_slice %arg13[%dma_start3A_86] : memref<2x!tpu.dma_semaphore, #tpu.memory_space<semaphore_mem>> -> memref<1x!tpu.dma_semaphore, #tpu.memory_space<semaphore_mem>>
    %dma_start3A_91 = tpu.memref_squeeze %dma_start3A_90 : memref<1x!tpu.dma_semaphore, #tpu.memory_space<semaphore_mem>> -> memref<!tpu.dma_semaphore, #tpu.memory_space<semaphore_mem>>
    %dma_start3A_92 = arith.constant 12288 : i32
    %dma_start3A_93 = tpu.memref_slice %arg7[%dma_start3A_92] : memref<16384xf32, #tpu.memory_space<vmem>> -> memref<4096xf32, #tpu.memory_space<vmem>>
    %dma_start3A_94 = tpu.memref_slice %arg3[%add3A_76] : memref<16777216xf32, #tpu.memory_space<hbm>> -> memref<4096xf32, #tpu.memory_space<hbm>>
    tpu.enqueue_dma source(%dma_start3A_94 : memref<4096xf32, #tpu.memory_space<hbm>>) target(%dma_start3A_93 : memref<4096xf32, #tpu.memory_space<vmem>>) target_semaphore(%dma_start3A_91 : memref<!tpu.dma_semaphore, #tpu.memory_space<semaphore_mem>>)
    %scan3A = arith.constant 0 : i32
    %scan3A_95 = arith.constant 16 : i32
    %scan3A_96 = arith.addi %scan3A, %scan3A_95 : i32
    %scan3A_97 = arith.constant 1 : i32
    scf.for %scan3A_130 = %scan3A to %scan3A_96 step %scan3A_97  : i32 {
      %mul3A_131 = arith.constant 2 : i32
      %mul3A_132 = arith.muli %scan3A_130, %mul3A_131 : i32
      %add3A_133 = arith.constant 0 : i32
      %add3A_134 = arith.addi %add3A_133, %mul3A_132 : i32
      %add3A_135 = arith.constant 0 : i32
      %add3A_136 = arith.addi %add3A_134, %add3A_135 : i32
      %add3A_137 = arith.constant 1 : i32
      %add3A_138 = arith.addi %add3A_136, %add3A_137 : i32
      %lt3A = arith.constant 32 : i32
      %lt3A_139 = arith.cmpi slt, %add3A_138, %lt3A : i32
      %convert_element_type3A = arith.extui %lt3A_139 : i1 to i32
      %cond3A = arith.constant 0 : i32
      %cond3A_140 = arith.cmpi ne, %convert_element_type3A, %cond3A : i32
      scf.if %cond3A_140 {
        %add3A_385 = arith.constant 1 : i32
        %add3A_386 = arith.addi %add3A_136, %add3A_385 : i32
        %add3A_387 = arith.constant 0 : i32
        %add3A_388 = arith.addi %add3A_387, %mul3A_2 : i32
        %mul3A_389 = arith.constant 4096 : i32
        %mul3A_390 = arith.muli %add3A_386, %mul3A_389 : i32
        %add3A_391 = arith.addi %add3A_388, %mul3A_390 : i32
        %dma_start3A_392 = arith.constant 1 : i32
        %dma_start3A_393 = arith.constant 0 : i32
        %dma_start3A_394 = tpu.memref_slice %arg6[%dma_start3A_393] : memref<16384xf32, #tpu.memory_space<vmem>> -> memref<4096xf32, #tpu.memory_space<vmem>>
        %dma_start3A_395 = tpu.memref_slice %arg2[%add3A_391] : memref<16777216xf32, #tpu.memory_space<hbm>> -> memref<4096xf32, #tpu.memory_space<hbm>>
        %dma_start3A_396 = tpu.memref_slice %arg12[%dma_start3A_392] : memref<2x!tpu.dma_semaphore, #tpu.memory_space<semaphore_mem>> -> memref<1x!tpu.dma_semaphore, #tpu.memory_space<semaphore_mem>>
        %dma_start3A_397 = tpu.memref_squeeze %dma_start3A_396 : memref<1x!tpu.dma_semaphore, #tpu.memory_space<semaphore_mem>> -> memref<!tpu.dma_semaphore, #tpu.memory_space<semaphore_mem>>
        %dma_start3A_398 = arith.constant 0 : i32
        %dma_start3A_399 = tpu.memref_slice %arg6[%dma_start3A_398] : memref<16384xf32, #tpu.memory_space<vmem>> -> memref<4096xf32, #tpu.memory_space<vmem>>
        %dma_start3A_400 = tpu.memref_slice %arg2[%add3A_391] : memref<16777216xf32, #tpu.memory_space<hbm>> -> memref<4096xf32, #tpu.memory_space<hbm>>
        tpu.enqueue_dma source(%dma_start3A_400 : memref<4096xf32, #tpu.memory_space<hbm>>) target(%dma_start3A_399 : memref<4096xf32, #tpu.memory_space<vmem>>) target_semaphore(%dma_start3A_397 : memref<!tpu.dma_semaphore, #tpu.memory_space<semaphore_mem>>)
        %dma_start3A_401 = arith.constant 1 : i32
        %dma_start3A_402 = arith.constant 0 : i32
        %dma_start3A_403 = tpu.memref_slice %arg8[%dma_start3A_402] : memref<16384xf32, #tpu.memory_space<vmem>> -> memref<4096xf32, #tpu.memory_space<vmem>>
        %dma_start3A_404 = tpu.memref_slice %arg3[%add3A_391] : memref<16777216xf32, #tpu.memory_space<hbm>> -> memref<4096xf32, #tpu.memory_space<hbm>>
        %dma_start3A_405 = tpu.memref_slice %arg13[%dma_start3A_401] : memref<2x!tpu.dma_semaphore, #tpu.memory_space<semaphore_mem>> -> memref<1x!tpu.dma_semaphore, #tpu.memory_space<semaphore_mem>>
        %dma_start3A_406 = tpu.memref_squeeze %dma_start3A_405 : memref<1x!tpu.dma_semaphore, #tpu.memory_space<semaphore_mem>> -> memref<!tpu.dma_semaphore, #tpu.memory_space<semaphore_mem>>
        %dma_start3A_407 = arith.constant 0 : i32
        %dma_start3A_408 = tpu.memref_slice %arg8[%dma_start3A_407] : memref<16384xf32, #tpu.memory_space<vmem>> -> memref<4096xf32, #tpu.memory_space<vmem>>
        %dma_start3A_409 = tpu.memref_slice %arg3[%add3A_391] : memref<16777216xf32, #tpu.memory_space<hbm>> -> memref<4096xf32, #tpu.memory_space<hbm>>
        tpu.enqueue_dma source(%dma_start3A_409 : memref<4096xf32, #tpu.memory_space<hbm>>) target(%dma_start3A_408 : memref<4096xf32, #tpu.memory_space<vmem>>) target_semaphore(%dma_start3A_406 : memref<!tpu.dma_semaphore, #tpu.memory_space<semaphore_mem>>)
        %add3A_410 = arith.constant 4194304 : i32
        %add3A_411 = arith.addi %add3A_410, %mul3A_2 : i32
        %mul3A_412 = arith.constant 4096 : i32
        %mul3A_413 = arith.muli %add3A_386, %mul3A_412 : i32
        %add3A_414 = arith.addi %add3A_411, %mul3A_413 : i32
        %dma_start3A_415 = arith.constant 1 : i32
        %dma_start3A_416 = arith.constant 4096 : i32
        %dma_start3A_417 = tpu.memref_slice %arg6[%dma_start3A_416] : memref<16384xf32, #tpu.memory_space<vmem>> -> memref<4096xf32, #tpu.memory_space<vmem>>
        %dma_start3A_418 = tpu.memref_slice %arg2[%add3A_414] : memref<16777216xf32, #tpu.memory_space<hbm>> -> memref<4096xf32, #tpu.memory_space<hbm>>
        %dma_start3A_419 = tpu.memref_slice %arg12[%dma_start3A_415] : memref<2x!tpu.dma_semaphore, #tpu.memory_space<semaphore_mem>> -> memref<1x!tpu.dma_semaphore, #tpu.memory_space<semaphore_mem>>
        %dma_start3A_420 = tpu.memref_squeeze %dma_start3A_419 : memref<1x!tpu.dma_semaphore, #tpu.memory_space<semaphore_mem>> -> memref<!tpu.dma_semaphore, #tpu.memory_space<semaphore_mem>>
        %dma_start3A_421 = arith.constant 4096 : i32
        %dma_start3A_422 = tpu.memref_slice %arg6[%dma_start3A_421] : memref<16384xf32, #tpu.memory_space<vmem>> -> memref<4096xf32, #tpu.memory_space<vmem>>
        %dma_start3A_423 = tpu.memref_slice %arg2[%add3A_414] : memref<16777216xf32, #tpu.memory_space<hbm>> -> memref<4096xf32, #tpu.memory_space<hbm>>
        tpu.enqueue_dma source(%dma_start3A_423 : memref<4096xf32, #tpu.memory_space<hbm>>) target(%dma_start3A_422 : memref<4096xf32, #tpu.memory_space<vmem>>) target_semaphore(%dma_start3A_420 : memref<!tpu.dma_semaphore, #tpu.memory_space<semaphore_mem>>)
        %dma_start3A_424 = arith.constant 1 : i32
        %dma_start3A_425 = arith.constant 4096 : i32
        %dma_start3A_426 = tpu.memref_slice %arg8[%dma_start3A_425] : memref<16384xf32, #tpu.memory_space<vmem>> -> memref<4096xf32, #tpu.memory_space<vmem>>
        %dma_start3A_427 = tpu.memref_slice %arg3[%add3A_414] : memref<16777216xf32, #tpu.memory_space<hbm>> -> memref<4096xf32, #tpu.memory_space<hbm>>
        %dma_start3A_428 = tpu.memref_slice %arg13[%dma_start3A_424] : memref<2x!tpu.dma_semaphore, #tpu.memory_space<semaphore_mem>> -> memref<1x!tpu.dma_semaphore, #tpu.memory_space<semaphore_mem>>
        %dma_start3A_429 = tpu.memref_squeeze %dma_start3A_428 : memref<1x!tpu.dma_semaphore, #tpu.memory_space<semaphore_mem>> -> memref<!tpu.dma_semaphore, #tpu.memory_space<semaphore_mem>>
        %dma_start3A_430 = arith.constant 4096 : i32
        %dma_start3A_431 = tpu.memref_slice %arg8[%dma_start3A_430] : memref<16384xf32, #tpu.memory_space<vmem>> -> memref<4096xf32, #tpu.memory_space<vmem>>
        %dma_start3A_432 = tpu.memref_slice %arg3[%add3A_414] : memref<16777216xf32, #tpu.memory_space<hbm>> -> memref<4096xf32, #tpu.memory_space<hbm>>
        tpu.enqueue_dma source(%dma_start3A_432 : memref<4096xf32, #tpu.memory_space<hbm>>) target(%dma_start3A_431 : memref<4096xf32, #tpu.memory_space<vmem>>) target_semaphore(%dma_start3A_429 : memref<!tpu.dma_semaphore, #tpu.memory_space<semaphore_mem>>)
        %add3A_433 = arith.constant 8388608 : i32
        %add3A_434 = arith.addi %add3A_433, %mul3A_2 : i32
        %mul3A_435 = arith.constant 4096 : i32
        %mul3A_436 = arith.muli %add3A_386, %mul3A_435 : i32
        %add3A_437 = arith.addi %add3A_434, %mul3A_436 : i32
        %dma_start3A_438 = arith.constant 1 : i32
        %dma_start3A_439 = arith.constant 8192 : i32
        %dma_start3A_440 = tpu.memref_slice %arg6[%dma_start3A_439] : memref<16384xf32, #tpu.memory_space<vmem>> -> memref<4096xf32, #tpu.memory_space<vmem>>
        %dma_start3A_441 = tpu.memref_slice %arg2[%add3A_437] : memref<16777216xf32, #tpu.memory_space<hbm>> -> memref<4096xf32, #tpu.memory_space<hbm>>
        %dma_start3A_442 = tpu.memref_slice %arg12[%dma_start3A_438] : memref<2x!tpu.dma_semaphore, #tpu.memory_space<semaphore_mem>> -> memref<1x!tpu.dma_semaphore, #tpu.memory_space<semaphore_mem>>
        %dma_start3A_443 = tpu.memref_squeeze %dma_start3A_442 : memref<1x!tpu.dma_semaphore, #tpu.memory_space<semaphore_mem>> -> memref<!tpu.dma_semaphore, #tpu.memory_space<semaphore_mem>>
        %dma_start3A_444 = arith.constant 8192 : i32
        %dma_start3A_445 = tpu.memref_slice %arg6[%dma_start3A_444] : memref<16384xf32, #tpu.memory_space<vmem>> -> memref<4096xf32, #tpu.memory_space<vmem>>
        %dma_start3A_446 = tpu.memref_slice %arg2[%add3A_437] : memref<16777216xf32, #tpu.memory_space<hbm>> -> memref<4096xf32, #tpu.memory_space<hbm>>
        tpu.enqueue_dma source(%dma_start3A_446 : memref<4096xf32, #tpu.memory_space<hbm>>) target(%dma_start3A_445 : memref<4096xf32, #tpu.memory_space<vmem>>) target_semaphore(%dma_start3A_443 : memref<!tpu.dma_semaphore, #tpu.memory_space<semaphore_mem>>)
        %dma_start3A_447 = arith.constant 1 : i32
        %dma_start3A_448 = arith.constant 8192 : i32
        %dma_start3A_449 = tpu.memref_slice %arg8[%dma_start3A_448] : memref<16384xf32, #tpu.memory_space<vmem>> -> memref<4096xf32, #tpu.memory_space<vmem>>
        %dma_start3A_450 = tpu.memref_slice %arg3[%add3A_437] : memref<16777216xf32, #tpu.memory_space<hbm>> -> memref<4096xf32, #tpu.memory_space<hbm>>
        %dma_start3A_451 = tpu.memref_slice %arg13[%dma_start3A_447] : memref<2x!tpu.dma_semaphore, #tpu.memory_space<semaphore_mem>> -> memref<1x!tpu.dma_semaphore, #tpu.memory_space<semaphore_mem>>
        %dma_start3A_452 = tpu.memref_squeeze %dma_start3A_451 : memref<1x!tpu.dma_semaphore, #tpu.memory_space<semaphore_mem>> -> memref<!tpu.dma_semaphore, #tpu.memory_space<semaphore_mem>>
        %dma_start3A_453 = arith.constant 8192 : i32
        %dma_start3A_454 = tpu.memref_slice %arg8[%dma_start3A_453] : memref<16384xf32, #tpu.memory_space<vmem>> -> memref<4096xf32, #tpu.memory_space<vmem>>
        %dma_start3A_455 = tpu.memref_slice %arg3[%add3A_437] : memref<16777216xf32, #tpu.memory_space<hbm>> -> memref<4096xf32, #tpu.memory_space<hbm>>
        tpu.enqueue_dma source(%dma_start3A_455 : memref<4096xf32, #tpu.memory_space<hbm>>) target(%dma_start3A_454 : memref<4096xf32, #tpu.memory_space<vmem>>) target_semaphore(%dma_start3A_452 : memref<!tpu.dma_semaphore, #tpu.memory_space<semaphore_mem>>)
        %add3A_456 = arith.constant 12582912 : i32
        %add3A_457 = arith.addi %add3A_456, %mul3A_2 : i32
        %mul3A_458 = arith.constant 4096 : i32
        %mul3A_459 = arith.muli %add3A_386, %mul3A_458 : i32
        %add3A_460 = arith.addi %add3A_457, %mul3A_459 : i32
        %dma_start3A_461 = arith.constant 1 : i32
        %dma_start3A_462 = arith.constant 12288 : i32
        %dma_start3A_463 = tpu.memref_slice %arg6[%dma_start3A_462] : memref<16384xf32, #tpu.memory_space<vmem>> -> memref<4096xf32, #tpu.memory_space<vmem>>
        %dma_start3A_464 = tpu.memref_slice %arg2[%add3A_460] : memref<16777216xf32, #tpu.memory_space<hbm>> -> memref<4096xf32, #tpu.memory_space<hbm>>
        %dma_start3A_465 = tpu.memref_slice %arg12[%dma_start3A_461] : memref<2x!tpu.dma_semaphore, #tpu.memory_space<semaphore_mem>> -> memref<1x!tpu.dma_semaphore, #tpu.memory_space<semaphore_mem>>
        %dma_start3A_466 = tpu.memref_squeeze %dma_start3A_465 : memref<1x!tpu.dma_semaphore, #tpu.memory_space<semaphore_mem>> -> memref<!tpu.dma_semaphore, #tpu.memory_space<semaphore_mem>>
        %dma_start3A_467 = arith.constant 12288 : i32
        %dma_start3A_468 = tpu.memref_slice %arg6[%dma_start3A_467] : memref<16384xf32, #tpu.memory_space<vmem>> -> memref<4096xf32, #tpu.memory_space<vmem>>
        %dma_start3A_469 = tpu.memref_slice %arg2[%add3A_460] : memref<16777216xf32, #tpu.memory_space<hbm>> -> memref<4096xf32, #tpu.memory_space<hbm>>
        tpu.enqueue_dma source(%dma_start3A_469 : memref<4096xf32, #tpu.memory_space<hbm>>) target(%dma_start3A_468 : memref<4096xf32, #tpu.memory_space<vmem>>) target_semaphore(%dma_start3A_466 : memref<!tpu.dma_semaphore, #tpu.memory_space<semaphore_mem>>)
        %dma_start3A_470 = arith.constant 1 : i32
        %dma_start3A_471 = arith.constant 12288 : i32
        %dma_start3A_472 = tpu.memref_slice %arg8[%dma_start3A_471] : memref<16384xf32, #tpu.memory_space<vmem>> -> memref<4096xf32, #tpu.memory_space<vmem>>
        %dma_start3A_473 = tpu.memref_slice %arg3[%add3A_460] : memref<16777216xf32, #tpu.memory_space<hbm>> -> memref<4096xf32, #tpu.memory_space<hbm>>
        %dma_start3A_474 = tpu.memref_slice %arg13[%dma_start3A_470] : memref<2x!tpu.dma_semaphore, #tpu.memory_space<semaphore_mem>> -> memref<1x!tpu.dma_semaphore, #tpu.memory_space<semaphore_mem>>
        %dma_start3A_475 = tpu.memref_squeeze %dma_start3A_474 : memref<1x!tpu.dma_semaphore, #tpu.memory_space<semaphore_mem>> -> memref<!tpu.dma_semaphore, #tpu.memory_space<semaphore_mem>>
        %dma_start3A_476 = arith.constant 12288 : i32
        %dma_start3A_477 = tpu.memref_slice %arg8[%dma_start3A_476] : memref<16384xf32, #tpu.memory_space<vmem>> -> memref<4096xf32, #tpu.memory_space<vmem>>
        %dma_start3A_478 = tpu.memref_slice %arg3[%add3A_460] : memref<16777216xf32, #tpu.memory_space<hbm>> -> memref<4096xf32, #tpu.memory_space<hbm>>
        tpu.enqueue_dma source(%dma_start3A_478 : memref<4096xf32, #tpu.memory_space<hbm>>) target(%dma_start3A_477 : memref<4096xf32, #tpu.memory_space<vmem>>) target_semaphore(%dma_start3A_475 : memref<!tpu.dma_semaphore, #tpu.memory_space<semaphore_mem>>)
      } else {
      }
      %add3A_141 = arith.constant 0 : i32
      %add3A_142 = arith.addi %add3A_141, %mul3A_2 : i32
      %mul3A_143 = arith.constant 4096 : i32
      %mul3A_144 = arith.muli %add3A_136, %mul3A_143 : i32
      %add3A_145 = arith.addi %add3A_142, %mul3A_144 : i32
      %dma_wait3A_146 = arith.constant 0 : i32
      %dma_wait3A_147 = arith.constant 0 : i32
      %dma_wait3A_148 = tpu.memref_slice %arg5[%dma_wait3A_147] : memref<16384xf32, #tpu.memory_space<vmem>> -> memref<4096xf32, #tpu.memory_space<vmem>>
      %dma_wait3A_149 = tpu.memref_slice %arg2[%add3A_145] : memref<16777216xf32, #tpu.memory_space<hbm>> -> memref<4096xf32, #tpu.memory_space<hbm>>
      %dma_wait3A_150 = tpu.memref_slice %arg12[%dma_wait3A_146] : memref<2x!tpu.dma_semaphore, #tpu.memory_space<semaphore_mem>> -> memref<1x!tpu.dma_semaphore, #tpu.memory_space<semaphore_mem>>
      %dma_wait3A_151 = tpu.memref_squeeze %dma_wait3A_150 : memref<1x!tpu.dma_semaphore, #tpu.memory_space<semaphore_mem>> -> memref<!tpu.dma_semaphore, #tpu.memory_space<semaphore_mem>>
      %dma_wait3A_152 = arith.constant 0 : i32
      %dma_wait3A_153 = tpu.memref_slice %arg5[%dma_wait3A_152] : memref<16384xf32, #tpu.memory_space<vmem>> -> memref<4096xf32, #tpu.memory_space<vmem>>
      %dma_wait3A_154 = tpu.memref_slice %arg2[%add3A_145] : memref<16777216xf32, #tpu.memory_space<hbm>> -> memref<4096xf32, #tpu.memory_space<hbm>>
      tpu.wait_dma2 semaphore(%dma_wait3A_151 : memref<!tpu.dma_semaphore, #tpu.memory_space<semaphore_mem>>) src(%dma_wait3A_154 : memref<4096xf32, #tpu.memory_space<hbm>>) dst(%dma_wait3A_153 : memref<4096xf32, #tpu.memory_space<vmem>>)
      %dma_wait3A_155 = arith.constant 0 : i32
      %dma_wait3A_156 = arith.constant 0 : i32
      %dma_wait3A_157 = tpu.memref_slice %arg7[%dma_wait3A_156] : memref<16384xf32, #tpu.memory_space<vmem>> -> memref<4096xf32, #tpu.memory_space<vmem>>
      %dma_wait3A_158 = tpu.memref_slice %arg3[%add3A_145] : memref<16777216xf32, #tpu.memory_space<hbm>> -> memref<4096xf32, #tpu.memory_space<hbm>>
      %dma_wait3A_159 = tpu.memref_slice %arg13[%dma_wait3A_155] : memref<2x!tpu.dma_semaphore, #tpu.memory_space<semaphore_mem>> -> memref<1x!tpu.dma_semaphore, #tpu.memory_space<semaphore_mem>>
      %dma_wait3A_160 = tpu.memref_squeeze %dma_wait3A_159 : memref<1x!tpu.dma_semaphore, #tpu.memory_space<semaphore_mem>> -> memref<!tpu.dma_semaphore, #tpu.memory_space<semaphore_mem>>
      %dma_wait3A_161 = arith.constant 0 : i32
      %dma_wait3A_162 = tpu.memref_slice %arg7[%dma_wait3A_161] : memref<16384xf32, #tpu.memory_space<vmem>> -> memref<4096xf32, #tpu.memory_space<vmem>>
      %dma_wait3A_163 = tpu.memref_slice %arg3[%add3A_145] : memref<16777216xf32, #tpu.memory_space<hbm>> -> memref<4096xf32, #tpu.memory_space<hbm>>
      tpu.wait_dma2 semaphore(%dma_wait3A_160 : memref<!tpu.dma_semaphore, #tpu.memory_space<semaphore_mem>>) src(%dma_wait3A_163 : memref<4096xf32, #tpu.memory_space<hbm>>) dst(%dma_wait3A_162 : memref<4096xf32, #tpu.memory_space<vmem>>)
      %add3A_164 = arith.constant 4194304 : i32
      %add3A_165 = arith.addi %add3A_164, %mul3A_2 : i32
      %mul3A_166 = arith.constant 4096 : i32
      %mul3A_167 = arith.muli %add3A_136, %mul3A_166 : i32
      %add3A_168 = arith.addi %add3A_165, %mul3A_167 : i32
      %dma_wait3A_169 = arith.constant 0 : i32
      %dma_wait3A_170 = arith.constant 4096 : i32
      %dma_wait3A_171 = tpu.memref_slice %arg5[%dma_wait3A_170] : memref<16384xf32, #tpu.memory_space<vmem>> -> memref<4096xf32, #tpu.memory_space<vmem>>
      %dma_wait3A_172 = tpu.memref_slice %arg2[%add3A_168] : memref<16777216xf32, #tpu.memory_space<hbm>> -> memref<4096xf32, #tpu.memory_space<hbm>>
      %dma_wait3A_173 = tpu.memref_slice %arg12[%dma_wait3A_169] : memref<2x!tpu.dma_semaphore, #tpu.memory_space<semaphore_mem>> -> memref<1x!tpu.dma_semaphore, #tpu.memory_space<semaphore_mem>>
      %dma_wait3A_174 = tpu.memref_squeeze %dma_wait3A_173 : memref<1x!tpu.dma_semaphore, #tpu.memory_space<semaphore_mem>> -> memref<!tpu.dma_semaphore, #tpu.memory_space<semaphore_mem>>
      %dma_wait3A_175 = arith.constant 4096 : i32
      %dma_wait3A_176 = tpu.memref_slice %arg5[%dma_wait3A_175] : memref<16384xf32, #tpu.memory_space<vmem>> -> memref<4096xf32, #tpu.memory_space<vmem>>
      %dma_wait3A_177 = tpu.memref_slice %arg2[%add3A_168] : memref<16777216xf32, #tpu.memory_space<hbm>> -> memref<4096xf32, #tpu.memory_space<hbm>>
      tpu.wait_dma2 semaphore(%dma_wait3A_174 : memref<!tpu.dma_semaphore, #tpu.memory_space<semaphore_mem>>) src(%dma_wait3A_177 : memref<4096xf32, #tpu.memory_space<hbm>>) dst(%dma_wait3A_176 : memref<4096xf32, #tpu.memory_space<vmem>>)
      %dma_wait3A_178 = arith.constant 0 : i32
      %dma_wait3A_179 = arith.constant 4096 : i32
      %dma_wait3A_180 = tpu.memref_slice %arg7[%dma_wait3A_179] : memref<16384xf32, #tpu.memory_space<vmem>> -> memref<4096xf32, #tpu.memory_space<vmem>>
      %dma_wait3A_181 = tpu.memref_slice %arg3[%add3A_168] : memref<16777216xf32, #tpu.memory_space<hbm>> -> memref<4096xf32, #tpu.memory_space<hbm>>
      %dma_wait3A_182 = tpu.memref_slice %arg13[%dma_wait3A_178] : memref<2x!tpu.dma_semaphore, #tpu.memory_space<semaphore_mem>> -> memref<1x!tpu.dma_semaphore, #tpu.memory_space<semaphore_mem>>
      %dma_wait3A_183 = tpu.memref_squeeze %dma_wait3A_182 : memref<1x!tpu.dma_semaphore, #tpu.memory_space<semaphore_mem>> -> memref<!tpu.dma_semaphore, #tpu.memory_space<semaphore_mem>>
      %dma_wait3A_184 = arith.constant 4096 : i32
      %dma_wait3A_185 = tpu.memref_slice %arg7[%dma_wait3A_184] : memref<16384xf32, #tpu.memory_space<vmem>> -> memref<4096xf32, #tpu.memory_space<vmem>>
      %dma_wait3A_186 = tpu.memref_slice %arg3[%add3A_168] : memref<16777216xf32, #tpu.memory_space<hbm>> -> memref<4096xf32, #tpu.memory_space<hbm>>
      tpu.wait_dma2 semaphore(%dma_wait3A_183 : memref<!tpu.dma_semaphore, #tpu.memory_space<semaphore_mem>>) src(%dma_wait3A_186 : memref<4096xf32, #tpu.memory_space<hbm>>) dst(%dma_wait3A_185 : memref<4096xf32, #tpu.memory_space<vmem>>)
      %add3A_187 = arith.constant 8388608 : i32
      %add3A_188 = arith.addi %add3A_187, %mul3A_2 : i32
      %mul3A_189 = arith.constant 4096 : i32
      %mul3A_190 = arith.muli %add3A_136, %mul3A_189 : i32
      %add3A_191 = arith.addi %add3A_188, %mul3A_190 : i32
      %dma_wait3A_192 = arith.constant 0 : i32
      %dma_wait3A_193 = arith.constant 8192 : i32
      %dma_wait3A_194 = tpu.memref_slice %arg5[%dma_wait3A_193] : memref<16384xf32, #tpu.memory_space<vmem>> -> memref<4096xf32, #tpu.memory_space<vmem>>
      %dma_wait3A_195 = tpu.memref_slice %arg2[%add3A_191] : memref<16777216xf32, #tpu.memory_space<hbm>> -> memref<4096xf32, #tpu.memory_space<hbm>>
      %dma_wait3A_196 = tpu.memref_slice %arg12[%dma_wait3A_192] : memref<2x!tpu.dma_semaphore, #tpu.memory_space<semaphore_mem>> -> memref<1x!tpu.dma_semaphore, #tpu.memory_space<semaphore_mem>>
      %dma_wait3A_197 = tpu.memref_squeeze %dma_wait3A_196 : memref<1x!tpu.dma_semaphore, #tpu.memory_space<semaphore_mem>> -> memref<!tpu.dma_semaphore, #tpu.memory_space<semaphore_mem>>
      %dma_wait3A_198 = arith.constant 8192 : i32
      %dma_wait3A_199 = tpu.memref_slice %arg5[%dma_wait3A_198] : memref<16384xf32, #tpu.memory_space<vmem>> -> memref<4096xf32, #tpu.memory_space<vmem>>
      %dma_wait3A_200 = tpu.memref_slice %arg2[%add3A_191] : memref<16777216xf32, #tpu.memory_space<hbm>> -> memref<4096xf32, #tpu.memory_space<hbm>>
      tpu.wait_dma2 semaphore(%dma_wait3A_197 : memref<!tpu.dma_semaphore, #tpu.memory_space<semaphore_mem>>) src(%dma_wait3A_200 : memref<4096xf32, #tpu.memory_space<hbm>>) dst(%dma_wait3A_199 : memref<4096xf32, #tpu.memory_space<vmem>>)
      %dma_wait3A_201 = arith.constant 0 : i32
      %dma_wait3A_202 = arith.constant 8192 : i32
      %dma_wait3A_203 = tpu.memref_slice %arg7[%dma_wait3A_202] : memref<16384xf32, #tpu.memory_space<vmem>> -> memref<4096xf32, #tpu.memory_space<vmem>>
      %dma_wait3A_204 = tpu.memref_slice %arg3[%add3A_191] : memref<16777216xf32, #tpu.memory_space<hbm>> -> memref<4096xf32, #tpu.memory_space<hbm>>
      %dma_wait3A_205 = tpu.memref_slice %arg13[%dma_wait3A_201] : memref<2x!tpu.dma_semaphore, #tpu.memory_space<semaphore_mem>> -> memref<1x!tpu.dma_semaphore, #tpu.memory_space<semaphore_mem>>
      %dma_wait3A_206 = tpu.memref_squeeze %dma_wait3A_205 : memref<1x!tpu.dma_semaphore, #tpu.memory_space<semaphore_mem>> -> memref<!tpu.dma_semaphore, #tpu.memory_space<semaphore_mem>>
      %dma_wait3A_207 = arith.constant 8192 : i32
      %dma_wait3A_208 = tpu.memref_slice %arg7[%dma_wait3A_207] : memref<16384xf32, #tpu.memory_space<vmem>> -> memref<4096xf32, #tpu.memory_space<vmem>>
      %dma_wait3A_209 = tpu.memref_slice %arg3[%add3A_191] : memref<16777216xf32, #tpu.memory_space<hbm>> -> memref<4096xf32, #tpu.memory_space<hbm>>
      tpu.wait_dma2 semaphore(%dma_wait3A_206 : memref<!tpu.dma_semaphore, #tpu.memory_space<semaphore_mem>>) src(%dma_wait3A_209 : memref<4096xf32, #tpu.memory_space<hbm>>) dst(%dma_wait3A_208 : memref<4096xf32, #tpu.memory_space<vmem>>)
      %add3A_210 = arith.constant 12582912 : i32
      %add3A_211 = arith.addi %add3A_210, %mul3A_2 : i32
      %mul3A_212 = arith.constant 4096 : i32
      %mul3A_213 = arith.muli %add3A_136, %mul3A_212 : i32
      %add3A_214 = arith.addi %add3A_211, %mul3A_213 : i32
      %dma_wait3A_215 = arith.constant 0 : i32
      %dma_wait3A_216 = arith.constant 12288 : i32
      %dma_wait3A_217 = tpu.memref_slice %arg5[%dma_wait3A_216] : memref<16384xf32, #tpu.memory_space<vmem>> -> memref<4096xf32, #tpu.memory_space<vmem>>
      %dma_wait3A_218 = tpu.memref_slice %arg2[%add3A_214] : memref<16777216xf32, #tpu.memory_space<hbm>> -> memref<4096xf32, #tpu.memory_space<hbm>>
      %dma_wait3A_219 = tpu.memref_slice %arg12[%dma_wait3A_215] : memref<2x!tpu.dma_semaphore, #tpu.memory_space<semaphore_mem>> -> memref<1x!tpu.dma_semaphore, #tpu.memory_space<semaphore_mem>>
      %dma_wait3A_220 = tpu.memref_squeeze %dma_wait3A_219 : memref<1x!tpu.dma_semaphore, #tpu.memory_space<semaphore_mem>> -> memref<!tpu.dma_semaphore, #tpu.memory_space<semaphore_mem>>
      %dma_wait3A_221 = arith.constant 12288 : i32
      %dma_wait3A_222 = tpu.memref_slice %arg5[%dma_wait3A_221] : memref<16384xf32, #tpu.memory_space<vmem>> -> memref<4096xf32, #tpu.memory_space<vmem>>
      %dma_wait3A_223 = tpu.memref_slice %arg2[%add3A_214] : memref<16777216xf32, #tpu.memory_space<hbm>> -> memref<4096xf32, #tpu.memory_space<hbm>>
      tpu.wait_dma2 semaphore(%dma_wait3A_220 : memref<!tpu.dma_semaphore, #tpu.memory_space<semaphore_mem>>) src(%dma_wait3A_223 : memref<4096xf32, #tpu.memory_space<hbm>>) dst(%dma_wait3A_222 : memref<4096xf32, #tpu.memory_space<vmem>>)
      %dma_wait3A_224 = arith.constant 0 : i32
      %dma_wait3A_225 = arith.constant 12288 : i32
      %dma_wait3A_226 = tpu.memref_slice %arg7[%dma_wait3A_225] : memref<16384xf32, #tpu.memory_space<vmem>> -> memref<4096xf32, #tpu.memory_space<vmem>>
      %dma_wait3A_227 = tpu.memref_slice %arg3[%add3A_214] : memref<16777216xf32, #tpu.memory_space<hbm>> -> memref<4096xf32, #tpu.memory_space<hbm>>
      %dma_wait3A_228 = tpu.memref_slice %arg13[%dma_wait3A_224] : memref<2x!tpu.dma_semaphore, #tpu.memory_space<semaphore_mem>> -> memref<1x!tpu.dma_semaphore, #tpu.memory_space<semaphore_mem>>
      %dma_wait3A_229 = tpu.memref_squeeze %dma_wait3A_228 : memref<1x!tpu.dma_semaphore, #tpu.memory_space<semaphore_mem>> -> memref<!tpu.dma_semaphore, #tpu.memory_space<semaphore_mem>>
      %dma_wait3A_230 = arith.constant 12288 : i32
      %dma_wait3A_231 = tpu.memref_slice %arg7[%dma_wait3A_230] : memref<16384xf32, #tpu.memory_space<vmem>> -> memref<4096xf32, #tpu.memory_space<vmem>>
      %dma_wait3A_232 = tpu.memref_slice %arg3[%add3A_214] : memref<16777216xf32, #tpu.memory_space<hbm>> -> memref<4096xf32, #tpu.memory_space<hbm>>
      tpu.wait_dma2 semaphore(%dma_wait3A_229 : memref<!tpu.dma_semaphore, #tpu.memory_space<semaphore_mem>>) src(%dma_wait3A_232 : memref<4096xf32, #tpu.memory_space<hbm>>) dst(%dma_wait3A_231 : memref<4096xf32, #tpu.memory_space<vmem>>)
      %ge3A = arith.constant 2 : i32
      %ge3A_233 = arith.cmpi sge, %add3A_136, %ge3A : i32
      %convert_element_type3A_234 = arith.extui %ge3A_233 : i1 to i32
      %cond3A_235 = arith.constant 0 : i32
      %cond3A_236 = arith.cmpi ne, %convert_element_type3A_234, %cond3A_235 : i32
      scf.if %cond3A_236 {
        %sub3A = arith.constant 2 : i32
        %sub3A_385 = arith.subi %add3A_136, %sub3A : i32
        %add3A_386 = arith.addi %mul3A_4, %sub3A_385 : i32
        %shift_right_arithmetic3A_387 = arith.constant 3 : i32
        %shift_right_arithmetic3A_388 = arith.shrsi %add3A_386, %shift_right_arithmetic3A_387 : i32
        %and3A_389 = arith.constant 7 : i32
        %and3A_390 = arith.andi %add3A_386, %and3A_389 : i32
        %dma_wait3A_391 = arith.constant 0 : i32
        %dma_wait3A_392 = arith.constant 0 : i32
        %dma_wait3A_393 = arith.constant 0 : i32
        %dma_wait3A_394 = tpu.memref_slice %arg4[%shift_right_arithmetic3A_388, %dma_wait3A_392, %and3A_390, %dma_wait3A_393] : memref<128x128x8x128xf32, #tpu.memory_space<hbm>> -> memref<1x128x1x128xf32, #tpu.memory_space<hbm>>
        %dma_wait3A_395 = tpu.memref_squeeze %dma_wait3A_394 : memref<1x128x1x128xf32, #tpu.memory_space<hbm>> -> memref<128x128xf32, #tpu.memory_space<hbm>>
        %dma_wait3A_396 = tpu.memref_slice %arg14[%dma_wait3A_391] : memref<2x!tpu.dma_semaphore, #tpu.memory_space<semaphore_mem>> -> memref<1x!tpu.dma_semaphore, #tpu.memory_space<semaphore_mem>>
        %dma_wait3A_397 = tpu.memref_squeeze %dma_wait3A_396 : memref<1x!tpu.dma_semaphore, #tpu.memory_space<semaphore_mem>> -> memref<!tpu.dma_semaphore, #tpu.memory_space<semaphore_mem>>
        %dma_wait3A_398 = arith.constant 0 : i32
        %dma_wait3A_399 = arith.constant 0 : i32
        %dma_wait3A_400 = tpu.memref_slice %arg4[%shift_right_arithmetic3A_388, %dma_wait3A_398, %and3A_390, %dma_wait3A_399] : memref<128x128x8x128xf32, #tpu.memory_space<hbm>> -> memref<1x128x1x128xf32, #tpu.memory_space<hbm>>
        %dma_wait3A_401 = tpu.memref_squeeze %dma_wait3A_400 : memref<1x128x1x128xf32, #tpu.memory_space<hbm>> -> memref<128x128xf32, #tpu.memory_space<hbm>>
        tpu.wait_dma2 semaphore(%dma_wait3A_397 : memref<!tpu.dma_semaphore, #tpu.memory_space<semaphore_mem>>) src(%arg9 : memref<128x128xf32, #tpu.memory_space<vmem>>) dst(%dma_wait3A_401 : memref<128x128xf32, #tpu.memory_space<hbm>>)
      } else {
      }
      %scan3A_237 = arith.constant 0 : i32
      %scan3A_238 = arith.constant 32 : i32
      %scan3A_239 = arith.addi %scan3A_237, %scan3A_238 : i32
      %scan3A_240 = arith.constant 1 : i32
      scf.for %scan3A_385 = %scan3A_237 to %scan3A_239 step %scan3A_240  : i32 {
        %mul3A_386 = arith.constant 1 : i32
        %mul3A_387 = arith.muli %scan3A_385, %mul3A_386 : i32
        %add3A_388 = arith.constant 0 : i32
        %add3A_389 = arith.addi %add3A_388, %mul3A_387 : i32
        %shift_right_arithmetic3A_390 = arith.constant 3 : i32
        %shift_right_arithmetic3A_391 = arith.shrsi %add3A_389, %shift_right_arithmetic3A_390 : i32
        %mul3A_392 = arith.constant 1024 : i32
        %mul3A_393 = arith.muli %shift_right_arithmetic3A_391, %mul3A_392 : i32
        %and3A_394 = arith.constant 7 : i32
        %and3A_395 = arith.andi %add3A_389, %and3A_394 : i32
        %mul3A_396 = arith.constant 16 : i32
        %mul3A_397 = arith.muli %and3A_395, %mul3A_396 : i32
        %add3A_398 = arith.addi %mul3A_393, %mul3A_397 : i32
        %parallel_loop3A = arith.constant 0 : i32
        %parallel_loop3A_399 = arith.constant 32 : i32
        %parallel_loop3A_400 = arith.constant 1 : i32
        %parallel_loop3A_401 = scf.for %parallel_loop3A_408 = %parallel_loop3A to %parallel_loop3A_399 step %parallel_loop3A_400 iter_args(%parallel_loop3A_409 = %iota3A) -> (vector<16xi32>)  : i32 {
          %parallel_loop3A_410 = arith.constant 3 : i32
          %parallel_loop3A_411 = arith.shrsi %parallel_loop3A_408, %parallel_loop3A_410 : i32
          %parallel_loop3A_412 = arith.constant 4096 : i32
          %parallel_loop3A_413 = arith.muli %parallel_loop3A_411, %parallel_loop3A_412 : i32
          %parallel_loop3A_414 = arith.constant 7 : i32
          %parallel_loop3A_415 = arith.andi %parallel_loop3A_408, %parallel_loop3A_414 : i32
          %parallel_loop3A_416 = arith.constant 128 : i32
          %parallel_loop3A_417 = arith.muli %parallel_loop3A_415, %parallel_loop3A_416 : i32
          %parallel_loop3A_418 = arith.addi %parallel_loop3A_413, %parallel_loop3A_417 : i32
          %parallel_loop3A_419 = arith.addi %parallel_loop3A_418, %add3A_398 : i32
          %parallel_loop3A_420 = arith.index_cast %parallel_loop3A_419 : i32 to index
          %parallel_loop3A_421 = tpu.vector_load %arg5[%parallel_loop3A_420] {strides = array<i32>} : memref<16384xf32, #tpu.memory_space<vmem>>, vector<16xf32>,
          %parallel_loop3A_422 = arith.index_cast %parallel_loop3A_419 : i32 to index
          %parallel_loop3A_423 = tpu.vector_load %arg7[%parallel_loop3A_422] {strides = array<i32>} : memref<16384xf32, #tpu.memory_space<vmem>>, vector<16xf32>,
          %parallel_loop3A_424 = arith.mulf %parallel_loop3A_421, %parallel_loop3A_423 : vector<16xf32>
          tpu.vector_store_idx %arg11[%parallel_loop3A_409], %parallel_loop3A_424 : memref<544xf32, #tpu.memory_space<vmem>>[vector<16xi32>], vector<16xf32>,
          %parallel_loop3A_425 = arith.constant 17 : i32
          %parallel_loop3A_426 = vector.broadcast %parallel_loop3A_425 : i32 to vector<16xi32>
          %parallel_loop3A_427 = arith.addi %parallel_loop3A_409, %parallel_loop3A_426 : vector<16xi32>
          scf.yield %parallel_loop3A_427 : vector<16xi32>
        } {sc.loop_unroll_factor = 4 : i64, sc.parallel_access}
        %mul3A_402 = arith.constant 512 : i32
        %mul3A_403 = arith.muli %add3A_389, %mul3A_402 : i32
        %parallel_loop3A_404 = arith.constant 0 : i32
        %parallel_loop3A_405 = arith.constant 16 : i32
        %parallel_loop3A_406 = arith.constant 1 : i32
        %parallel_loop3A_407 = scf.for %parallel_loop3A_408 = %parallel_loop3A_404 to %parallel_loop3A_405 step %parallel_loop3A_406 iter_args(%parallel_loop3A_409 = %mul3A_7) -> (vector<16xi32>)  : i32 {
          %parallel_loop3A_410 = tpu.vector_load_idx %arg11[%parallel_loop3A_409] : memref<544xf32, #tpu.memory_space<vmem>>[vector<16xi32>], vector<16xf32>,
          %parallel_loop3A_411 = arith.constant 272 : i32
          %parallel_loop3A_412 = vector.broadcast %parallel_loop3A_411 : i32 to vector<16xi32>
          %parallel_loop3A_413 = arith.addi %parallel_loop3A_409, %parallel_loop3A_412 : vector<16xi32>
          %parallel_loop3A_414 = tpu.vector_load_idx %arg11[%parallel_loop3A_413] : memref<544xf32, #tpu.memory_space<vmem>>[vector<16xi32>], vector<16xf32>,
          %parallel_loop3A_415 = arith.constant 32 : i32
          %parallel_loop3A_416 = arith.muli %parallel_loop3A_408, %parallel_loop3A_415 : i32
          %parallel_loop3A_417 = arith.addi %mul3A_403, %parallel_loop3A_416 : i32
          %parallel_loop3A_418 = arith.constant 7 : i32
          %parallel_loop3A_419 = arith.shrsi %parallel_loop3A_417, %parallel_loop3A_418 : i32
          %parallel_loop3A_420 = arith.constant 96 : i32
          %parallel_loop3A_421 = arith.andi %parallel_loop3A_417, %parallel_loop3A_420 : i32
          %parallel_loop3A_422 = arith.index_cast %parallel_loop3A_419 : i32 to index
          %parallel_loop3A_423 = arith.index_cast %parallel_loop3A_421 : i32 to index
          %parallel_loop3A_424 = tpu.vector_load %arg9[%parallel_loop3A_422, %parallel_loop3A_423] {strides = array<i32>} : memref<128x128xf32, #tpu.memory_space<vmem>>, vector<16xf32>,
          tpu.vector_store %arg9[%parallel_loop3A_422, %parallel_loop3A_423], %parallel_loop3A_410 {strides = array<i32>} : memref<128x128xf32, #tpu.memory_space<vmem>>, vector<16xf32>,
          %parallel_loop3A_425 = arith.constant 16 : i32
          %parallel_loop3A_426 = arith.addi %parallel_loop3A_421, %parallel_loop3A_425 : i32
          %parallel_loop3A_427 = arith.index_cast %parallel_loop3A_419 : i32 to index
          %parallel_loop3A_428 = arith.index_cast %parallel_loop3A_426 : i32 to index
          %parallel_loop3A_429 = tpu.vector_load %arg9[%parallel_loop3A_427, %parallel_loop3A_428] {strides = array<i32>} : memref<128x128xf32, #tpu.memory_space<vmem>>, vector<16xf32>,
          tpu.vector_store %arg9[%parallel_loop3A_427, %parallel_loop3A_428], %parallel_loop3A_414 {strides = array<i32>} : memref<128x128xf32, #tpu.memory_space<vmem>>, vector<16xf32>,
          %parallel_loop3A_430 = arith.constant 1 : i32
          %parallel_loop3A_431 = vector.broadcast %parallel_loop3A_430 : i32 to vector<16xi32>
          %parallel_loop3A_432 = arith.addi %parallel_loop3A_409, %parallel_loop3A_431 : vector<16xi32>
          scf.yield %parallel_loop3A_432 : vector<16xi32>
        } {sc.loop_unroll_factor = 4 : i64, sc.parallel_access}
      }
      %scan3A_241 = arith.constant 32 : i32
      %add3A_242 = arith.addi %mul3A_4, %add3A_136 : i32
      %shift_right_arithmetic3A_243 = arith.constant 3 : i32
      %shift_right_arithmetic3A_244 = arith.shrsi %add3A_242, %shift_right_arithmetic3A_243 : i32
      %and3A_245 = arith.constant 7 : i32
      %and3A_246 = arith.andi %add3A_242, %and3A_245 : i32
      %dma_start3A_247 = arith.constant 0 : i32
      %dma_start3A_248 = arith.constant 0 : i32
      %dma_start3A_249 = arith.constant 0 : i32
      %dma_start3A_250 = tpu.memref_slice %arg4[%shift_right_arithmetic3A_244, %dma_start3A_248, %and3A_246, %dma_start3A_249] : memref<128x128x8x128xf32, #tpu.memory_space<hbm>> -> memref<1x128x1x128xf32, #tpu.memory_space<hbm>>
      %dma_start3A_251 = tpu.memref_squeeze %dma_start3A_250 : memref<1x128x1x128xf32, #tpu.memory_space<hbm>> -> memref<128x128xf32, #tpu.memory_space<hbm>>
      %dma_start3A_252 = tpu.memref_slice %arg14[%dma_start3A_247] : memref<2x!tpu.dma_semaphore, #tpu.memory_space<semaphore_mem>> -> memref<1x!tpu.dma_semaphore, #tpu.memory_space<semaphore_mem>>
      %dma_start3A_253 = tpu.memref_squeeze %dma_start3A_252 : memref<1x!tpu.dma_semaphore, #tpu.memory_space<semaphore_mem>> -> memref<!tpu.dma_semaphore, #tpu.memory_space<semaphore_mem>>
      %dma_start3A_254 = arith.constant 0 : i32
      %dma_start3A_255 = arith.constant 0 : i32
      %dma_start3A_256 = tpu.memref_slice %arg4[%shift_right_arithmetic3A_244, %dma_start3A_254, %and3A_246, %dma_start3A_255] : memref<128x128x8x128xf32, #tpu.memory_space<hbm>> -> memref<1x128x1x128xf32, #tpu.memory_space<hbm>>
      %dma_start3A_257 = tpu.memref_squeeze %dma_start3A_256 : memref<1x128x1x128xf32, #tpu.memory_space<hbm>> -> memref<128x128xf32, #tpu.memory_space<hbm>>
      tpu.enqueue_dma source(%arg9 : memref<128x128xf32, #tpu.memory_space<vmem>>) target(%dma_start3A_257 : memref<128x128xf32, #tpu.memory_space<hbm>>) target_semaphore(%dma_start3A_253 : memref<!tpu.dma_semaphore, #tpu.memory_space<semaphore_mem>>)
      %add3A_258 = arith.constant 1 : i32
      %add3A_259 = arith.addi %add3A_134, %add3A_258 : i32
      %add3A_260 = arith.constant 1 : i32
      %add3A_261 = arith.addi %add3A_259, %add3A_260 : i32
      %lt3A_262 = arith.constant 32 : i32
      %lt3A_263 = arith.cmpi slt, %add3A_261, %lt3A_262 : i32
      %convert_element_type3A_264 = arith.extui %lt3A_263 : i1 to i32
      %cond3A_265 = arith.constant 0 : i32
      %cond3A_266 = arith.cmpi ne, %convert_element_type3A_264, %cond3A_265 : i32
      scf.if %cond3A_266 {
        %add3A_385 = arith.constant 1 : i32
        %add3A_386 = arith.addi %add3A_259, %add3A_385 : i32
        %add3A_387 = arith.constant 0 : i32
        %add3A_388 = arith.addi %add3A_387, %mul3A_2 : i32
        %mul3A_389 = arith.constant 4096 : i32
        %mul3A_390 = arith.muli %add3A_386, %mul3A_389 : i32
        %add3A_391 = arith.addi %add3A_388, %mul3A_390 : i32
        %dma_start3A_392 = arith.constant 0 : i32
        %dma_start3A_393 = arith.constant 0 : i32
        %dma_start3A_394 = tpu.memref_slice %arg5[%dma_start3A_393] : memref<16384xf32, #tpu.memory_space<vmem>> -> memref<4096xf32, #tpu.memory_space<vmem>>
        %dma_start3A_395 = tpu.memref_slice %arg2[%add3A_391] : memref<16777216xf32, #tpu.memory_space<hbm>> -> memref<4096xf32, #tpu.memory_space<hbm>>
        %dma_start3A_396 = tpu.memref_slice %arg12[%dma_start3A_392] : memref<2x!tpu.dma_semaphore, #tpu.memory_space<semaphore_mem>> -> memref<1x!tpu.dma_semaphore, #tpu.memory_space<semaphore_mem>>
        %dma_start3A_397 = tpu.memref_squeeze %dma_start3A_396 : memref<1x!tpu.dma_semaphore, #tpu.memory_space<semaphore_mem>> -> memref<!tpu.dma_semaphore, #tpu.memory_space<semaphore_mem>>
        %dma_start3A_398 = arith.constant 0 : i32
        %dma_start3A_399 = tpu.memref_slice %arg5[%dma_start3A_398] : memref<16384xf32, #tpu.memory_space<vmem>> -> memref<4096xf32, #tpu.memory_space<vmem>>
        %dma_start3A_400 = tpu.memref_slice %arg2[%add3A_391] : memref<16777216xf32, #tpu.memory_space<hbm>> -> memref<4096xf32, #tpu.memory_space<hbm>>
        tpu.enqueue_dma source(%dma_start3A_400 : memref<4096xf32, #tpu.memory_space<hbm>>) target(%dma_start3A_399 : memref<4096xf32, #tpu.memory_space<vmem>>) target_semaphore(%dma_start3A_397 : memref<!tpu.dma_semaphore, #tpu.memory_space<semaphore_mem>>)
        %dma_start3A_401 = arith.constant 0 : i32
        %dma_start3A_402 = arith.constant 0 : i32
        %dma_start3A_403 = tpu.memref_slice %arg7[%dma_start3A_402] : memref<16384xf32, #tpu.memory_space<vmem>> -> memref<4096xf32, #tpu.memory_space<vmem>>
        %dma_start3A_404 = tpu.memref_slice %arg3[%add3A_391] : memref<16777216xf32, #tpu.memory_space<hbm>> -> memref<4096xf32, #tpu.memory_space<hbm>>
        %dma_start3A_405 = tpu.memref_slice %arg13[%dma_start3A_401] : memref<2x!tpu.dma_semaphore, #tpu.memory_space<semaphore_mem>> -> memref<1x!tpu.dma_semaphore, #tpu.memory_space<semaphore_mem>>
        %dma_start3A_406 = tpu.memref_squeeze %dma_start3A_405 : memref<1x!tpu.dma_semaphore, #tpu.memory_space<semaphore_mem>> -> memref<!tpu.dma_semaphore, #tpu.memory_space<semaphore_mem>>
        %dma_start3A_407 = arith.constant 0 : i32
        %dma_start3A_408 = tpu.memref_slice %arg7[%dma_start3A_407] : memref<16384xf32, #tpu.memory_space<vmem>> -> memref<4096xf32, #tpu.memory_space<vmem>>
        %dma_start3A_409 = tpu.memref_slice %arg3[%add3A_391] : memref<16777216xf32, #tpu.memory_space<hbm>> -> memref<4096xf32, #tpu.memory_space<hbm>>
        tpu.enqueue_dma source(%dma_start3A_409 : memref<4096xf32, #tpu.memory_space<hbm>>) target(%dma_start3A_408 : memref<4096xf32, #tpu.memory_space<vmem>>) target_semaphore(%dma_start3A_406 : memref<!tpu.dma_semaphore, #tpu.memory_space<semaphore_mem>>)
        %add3A_410 = arith.constant 4194304 : i32
        %add3A_411 = arith.addi %add3A_410, %mul3A_2 : i32
        %mul3A_412 = arith.constant 4096 : i32
        %mul3A_413 = arith.muli %add3A_386, %mul3A_412 : i32
        %add3A_414 = arith.addi %add3A_411, %mul3A_413 : i32
        %dma_start3A_415 = arith.constant 0 : i32
        %dma_start3A_416 = arith.constant 4096 : i32
        %dma_start3A_417 = tpu.memref_slice %arg5[%dma_start3A_416] : memref<16384xf32, #tpu.memory_space<vmem>> -> memref<4096xf32, #tpu.memory_space<vmem>>
        %dma_start3A_418 = tpu.memref_slice %arg2[%add3A_414] : memref<16777216xf32, #tpu.memory_space<hbm>> -> memref<4096xf32, #tpu.memory_space<hbm>>
        %dma_start3A_419 = tpu.memref_slice %arg12[%dma_start3A_415] : memref<2x!tpu.dma_semaphore, #tpu.memory_space<semaphore_mem>> -> memref<1x!tpu.dma_semaphore, #tpu.memory_space<semaphore_mem>>
        %dma_start3A_420 = tpu.memref_squeeze %dma_start3A_419 : memref<1x!tpu.dma_semaphore, #tpu.memory_space<semaphore_mem>> -> memref<!tpu.dma_semaphore, #tpu.memory_space<semaphore_mem>>
        %dma_start3A_421 = arith.constant 4096 : i32
        %dma_start3A_422 = tpu.memref_slice %arg5[%dma_start3A_421] : memref<16384xf32, #tpu.memory_space<vmem>> -> memref<4096xf32, #tpu.memory_space<vmem>>
        %dma_start3A_423 = tpu.memref_slice %arg2[%add3A_414] : memref<16777216xf32, #tpu.memory_space<hbm>> -> memref<4096xf32, #tpu.memory_space<hbm>>
        tpu.enqueue_dma source(%dma_start3A_423 : memref<4096xf32, #tpu.memory_space<hbm>>) target(%dma_start3A_422 : memref<4096xf32, #tpu.memory_space<vmem>>) target_semaphore(%dma_start3A_420 : memref<!tpu.dma_semaphore, #tpu.memory_space<semaphore_mem>>)
        %dma_start3A_424 = arith.constant 0 : i32
        %dma_start3A_425 = arith.constant 4096 : i32
        %dma_start3A_426 = tpu.memref_slice %arg7[%dma_start3A_425] : memref<16384xf32, #tpu.memory_space<vmem>> -> memref<4096xf32, #tpu.memory_space<vmem>>
        %dma_start3A_427 = tpu.memref_slice %arg3[%add3A_414] : memref<16777216xf32, #tpu.memory_space<hbm>> -> memref<4096xf32, #tpu.memory_space<hbm>>
        %dma_start3A_428 = tpu.memref_slice %arg13[%dma_start3A_424] : memref<2x!tpu.dma_semaphore, #tpu.memory_space<semaphore_mem>> -> memref<1x!tpu.dma_semaphore, #tpu.memory_space<semaphore_mem>>
        %dma_start3A_429 = tpu.memref_squeeze %dma_start3A_428 : memref<1x!tpu.dma_semaphore, #tpu.memory_space<semaphore_mem>> -> memref<!tpu.dma_semaphore, #tpu.memory_space<semaphore_mem>>
        %dma_start3A_430 = arith.constant 4096 : i32
        %dma_start3A_431 = tpu.memref_slice %arg7[%dma_start3A_430] : memref<16384xf32, #tpu.memory_space<vmem>> -> memref<4096xf32, #tpu.memory_space<vmem>>
        %dma_start3A_432 = tpu.memref_slice %arg3[%add3A_414] : memref<16777216xf32, #tpu.memory_space<hbm>> -> memref<4096xf32, #tpu.memory_space<hbm>>
        tpu.enqueue_dma source(%dma_start3A_432 : memref<4096xf32, #tpu.memory_space<hbm>>) target(%dma_start3A_431 : memref<4096xf32, #tpu.memory_space<vmem>>) target_semaphore(%dma_start3A_429 : memref<!tpu.dma_semaphore, #tpu.memory_space<semaphore_mem>>)
        %add3A_433 = arith.constant 8388608 : i32
        %add3A_434 = arith.addi %add3A_433, %mul3A_2 : i32
        %mul3A_435 = arith.constant 4096 : i32
        %mul3A_436 = arith.muli %add3A_386, %mul3A_435 : i32
        %add3A_437 = arith.addi %add3A_434, %mul3A_436 : i32
        %dma_start3A_438 = arith.constant 0 : i32
        %dma_start3A_439 = arith.constant 8192 : i32
        %dma_start3A_440 = tpu.memref_slice %arg5[%dma_start3A_439] : memref<16384xf32, #tpu.memory_space<vmem>> -> memref<4096xf32, #tpu.memory_space<vmem>>
        %dma_start3A_441 = tpu.memref_slice %arg2[%add3A_437] : memref<16777216xf32, #tpu.memory_space<hbm>> -> memref<4096xf32, #tpu.memory_space<hbm>>
        %dma_start3A_442 = tpu.memref_slice %arg12[%dma_start3A_438] : memref<2x!tpu.dma_semaphore, #tpu.memory_space<semaphore_mem>> -> memref<1x!tpu.dma_semaphore, #tpu.memory_space<semaphore_mem>>
        %dma_start3A_443 = tpu.memref_squeeze %dma_start3A_442 : memref<1x!tpu.dma_semaphore, #tpu.memory_space<semaphore_mem>> -> memref<!tpu.dma_semaphore, #tpu.memory_space<semaphore_mem>>
        %dma_start3A_444 = arith.constant 8192 : i32
        %dma_start3A_445 = tpu.memref_slice %arg5[%dma_start3A_444] : memref<16384xf32, #tpu.memory_space<vmem>> -> memref<4096xf32, #tpu.memory_space<vmem>>
        %dma_start3A_446 = tpu.memref_slice %arg2[%add3A_437] : memref<16777216xf32, #tpu.memory_space<hbm>> -> memref<4096xf32, #tpu.memory_space<hbm>>
        tpu.enqueue_dma source(%dma_start3A_446 : memref<4096xf32, #tpu.memory_space<hbm>>) target(%dma_start3A_445 : memref<4096xf32, #tpu.memory_space<vmem>>) target_semaphore(%dma_start3A_443 : memref<!tpu.dma_semaphore, #tpu.memory_space<semaphore_mem>>)
        %dma_start3A_447 = arith.constant 0 : i32
        %dma_start3A_448 = arith.constant 8192 : i32
        %dma_start3A_449 = tpu.memref_slice %arg7[%dma_start3A_448] : memref<16384xf32, #tpu.memory_space<vmem>> -> memref<4096xf32, #tpu.memory_space<vmem>>
        %dma_start3A_450 = tpu.memref_slice %arg3[%add3A_437] : memref<16777216xf32, #tpu.memory_space<hbm>> -> memref<4096xf32, #tpu.memory_space<hbm>>
        %dma_start3A_451 = tpu.memref_slice %arg13[%dma_start3A_447] : memref<2x!tpu.dma_semaphore, #tpu.memory_space<semaphore_mem>> -> memref<1x!tpu.dma_semaphore, #tpu.memory_space<semaphore_mem>>
        %dma_start3A_452 = tpu.memref_squeeze %dma_start3A_451 : memref<1x!tpu.dma_semaphore, #tpu.memory_space<semaphore_mem>> -> memref<!tpu.dma_semaphore, #tpu.memory_space<semaphore_mem>>
        %dma_start3A_453 = arith.constant 8192 : i32
        %dma_start3A_454 = tpu.memref_slice %arg7[%dma_start3A_453] : memref<16384xf32, #tpu.memory_space<vmem>> -> memref<4096xf32, #tpu.memory_space<vmem>>
        %dma_start3A_455 = tpu.memref_slice %arg3[%add3A_437] : memref<16777216xf32, #tpu.memory_space<hbm>> -> memref<4096xf32, #tpu.memory_space<hbm>>
        tpu.enqueue_dma source(%dma_start3A_455 : memref<4096xf32, #tpu.memory_space<hbm>>) target(%dma_start3A_454 : memref<4096xf32, #tpu.memory_space<vmem>>) target_semaphore(%dma_start3A_452 : memref<!tpu.dma_semaphore, #tpu.memory_space<semaphore_mem>>)
        %add3A_456 = arith.constant 12582912 : i32
        %add3A_457 = arith.addi %add3A_456, %mul3A_2 : i32
        %mul3A_458 = arith.constant 4096 : i32
        %mul3A_459 = arith.muli %add3A_386, %mul3A_458 : i32
        %add3A_460 = arith.addi %add3A_457, %mul3A_459 : i32
        %dma_start3A_461 = arith.constant 0 : i32
        %dma_start3A_462 = arith.constant 12288 : i32
        %dma_start3A_463 = tpu.memref_slice %arg5[%dma_start3A_462] : memref<16384xf32, #tpu.memory_space<vmem>> -> memref<4096xf32, #tpu.memory_space<vmem>>
        %dma_start3A_464 = tpu.memref_slice %arg2[%add3A_460] : memref<16777216xf32, #tpu.memory_space<hbm>> -> memref<4096xf32, #tpu.memory_space<hbm>>
        %dma_start3A_465 = tpu.memref_slice %arg12[%dma_start3A_461] : memref<2x!tpu.dma_semaphore, #tpu.memory_space<semaphore_mem>> -> memref<1x!tpu.dma_semaphore, #tpu.memory_space<semaphore_mem>>
        %dma_start3A_466 = tpu.memref_squeeze %dma_start3A_465 : memref<1x!tpu.dma_semaphore, #tpu.memory_space<semaphore_mem>> -> memref<!tpu.dma_semaphore, #tpu.memory_space<semaphore_mem>>
        %dma_start3A_467 = arith.constant 12288 : i32
        %dma_start3A_468 = tpu.memref_slice %arg5[%dma_start3A_467] : memref<16384xf32, #tpu.memory_space<vmem>> -> memref<4096xf32, #tpu.memory_space<vmem>>
        %dma_start3A_469 = tpu.memref_slice %arg2[%add3A_460] : memref<16777216xf32, #tpu.memory_space<hbm>> -> memref<4096xf32, #tpu.memory_space<hbm>>
        tpu.enqueue_dma source(%dma_start3A_469 : memref<4096xf32, #tpu.memory_space<hbm>>) target(%dma_start3A_468 : memref<4096xf32, #tpu.memory_space<vmem>>) target_semaphore(%dma_start3A_466 : memref<!tpu.dma_semaphore, #tpu.memory_space<semaphore_mem>>)
        %dma_start3A_470 = arith.constant 0 : i32
        %dma_start3A_471 = arith.constant 12288 : i32
        %dma_start3A_472 = tpu.memref_slice %arg7[%dma_start3A_471] : memref<16384xf32, #tpu.memory_space<vmem>> -> memref<4096xf32, #tpu.memory_space<vmem>>
        %dma_start3A_473 = tpu.memref_slice %arg3[%add3A_460] : memref<16777216xf32, #tpu.memory_space<hbm>> -> memref<4096xf32, #tpu.memory_space<hbm>>
        %dma_start3A_474 = tpu.memref_slice %arg13[%dma_start3A_470] : memref<2x!tpu.dma_semaphore, #tpu.memory_space<semaphore_mem>> -> memref<1x!tpu.dma_semaphore, #tpu.memory_space<semaphore_mem>>
        %dma_start3A_475 = tpu.memref_squeeze %dma_start3A_474 : memref<1x!tpu.dma_semaphore, #tpu.memory_space<semaphore_mem>> -> memref<!tpu.dma_semaphore, #tpu.memory_space<semaphore_mem>>
        %dma_start3A_476 = arith.constant 12288 : i32
        %dma_start3A_477 = tpu.memref_slice %arg7[%dma_start3A_476] : memref<16384xf32, #tpu.memory_space<vmem>> -> memref<4096xf32, #tpu.memory_space<vmem>>
        %dma_start3A_478 = tpu.memref_slice %arg3[%add3A_460] : memref<16777216xf32, #tpu.memory_space<hbm>> -> memref<4096xf32, #tpu.memory_space<hbm>>
        tpu.enqueue_dma source(%dma_start3A_478 : memref<4096xf32, #tpu.memory_space<hbm>>) target(%dma_start3A_477 : memref<4096xf32, #tpu.memory_space<vmem>>) target_semaphore(%dma_start3A_475 : memref<!tpu.dma_semaphore, #tpu.memory_space<semaphore_mem>>)
      } else {
      }
      %add3A_267 = arith.constant 0 : i32
      %add3A_268 = arith.addi %add3A_267, %mul3A_2 : i32
      %mul3A_269 = arith.constant 4096 : i32
      %mul3A_270 = arith.muli %add3A_259, %mul3A_269 : i32
      %add3A_271 = arith.addi %add3A_268, %mul3A_270 : i32
      %dma_wait3A_272 = arith.constant 1 : i32
      %dma_wait3A_273 = arith.constant 0 : i32
      %dma_wait3A_274 = tpu.memref_slice %arg6[%dma_wait3A_273] : memref<16384xf32, #tpu.memory_space<vmem>> -> memref<4096xf32, #tpu.memory_space<vmem>>
      %dma_wait3A_275 = tpu.memref_slice %arg2[%add3A_271] : memref<16777216xf32, #tpu.memory_space<hbm>> -> memref<4096xf32, #tpu.memory_space<hbm>>
      %dma_wait3A_276 = tpu.memref_slice %arg12[%dma_wait3A_272] : memref<2x!tpu.dma_semaphore, #tpu.memory_space<semaphore_mem>> -> memref<1x!tpu.dma_semaphore, #tpu.memory_space<semaphore_mem>>
      %dma_wait3A_277 = tpu.memref_squeeze %dma_wait3A_276 : memref<1x!tpu.dma_semaphore, #tpu.memory_space<semaphore_mem>> -> memref<!tpu.dma_semaphore, #tpu.memory_space<semaphore_mem>>
      %dma_wait3A_278 = arith.constant 0 : i32
      %dma_wait3A_279 = tpu.memref_slice %arg6[%dma_wait3A_278] : memref<16384xf32, #tpu.memory_space<vmem>> -> memref<4096xf32, #tpu.memory_space<vmem>>
      %dma_wait3A_280 = tpu.memref_slice %arg2[%add3A_271] : memref<16777216xf32, #tpu.memory_space<hbm>> -> memref<4096xf32, #tpu.memory_space<hbm>>
      tpu.wait_dma2 semaphore(%dma_wait3A_277 : memref<!tpu.dma_semaphore, #tpu.memory_space<semaphore_mem>>) src(%dma_wait3A_280 : memref<4096xf32, #tpu.memory_space<hbm>>) dst(%dma_wait3A_279 : memref<4096xf32, #tpu.memory_space<vmem>>)
      %dma_wait3A_281 = arith.constant 1 : i32
      %dma_wait3A_282 = arith.constant 0 : i32
      %dma_wait3A_283 = tpu.memref_slice %arg8[%dma_wait3A_282] : memref<16384xf32, #tpu.memory_space<vmem>> -> memref<4096xf32, #tpu.memory_space<vmem>>
      %dma_wait3A_284 = tpu.memref_slice %arg3[%add3A_271] : memref<16777216xf32, #tpu.memory_space<hbm>> -> memref<4096xf32, #tpu.memory_space<hbm>>
      %dma_wait3A_285 = tpu.memref_slice %arg13[%dma_wait3A_281] : memref<2x!tpu.dma_semaphore, #tpu.memory_space<semaphore_mem>> -> memref<1x!tpu.dma_semaphore, #tpu.memory_space<semaphore_mem>>
      %dma_wait3A_286 = tpu.memref_squeeze %dma_wait3A_285 : memref<1x!tpu.dma_semaphore, #tpu.memory_space<semaphore_mem>> -> memref<!tpu.dma_semaphore, #tpu.memory_space<semaphore_mem>>
      %dma_wait3A_287 = arith.constant 0 : i32
      %dma_wait3A_288 = tpu.memref_slice %arg8[%dma_wait3A_287] : memref<16384xf32, #tpu.memory_space<vmem>> -> memref<4096xf32, #tpu.memory_space<vmem>>
      %dma_wait3A_289 = tpu.memref_slice %arg3[%add3A_271] : memref<16777216xf32, #tpu.memory_space<hbm>> -> memref<4096xf32, #tpu.memory_space<hbm>>
      tpu.wait_dma2 semaphore(%dma_wait3A_286 : memref<!tpu.dma_semaphore, #tpu.memory_space<semaphore_mem>>) src(%dma_wait3A_289 : memref<4096xf32, #tpu.memory_space<hbm>>) dst(%dma_wait3A_288 : memref<4096xf32, #tpu.memory_space<vmem>>)
      %add3A_290 = arith.constant 4194304 : i32
      %add3A_291 = arith.addi %add3A_290, %mul3A_2 : i32
      %mul3A_292 = arith.constant 4096 : i32
      %mul3A_293 = arith.muli %add3A_259, %mul3A_292 : i32
      %add3A_294 = arith.addi %add3A_291, %mul3A_293 : i32
      %dma_wait3A_295 = arith.constant 1 : i32
      %dma_wait3A_296 = arith.constant 4096 : i32
      %dma_wait3A_297 = tpu.memref_slice %arg6[%dma_wait3A_296] : memref<16384xf32, #tpu.memory_space<vmem>> -> memref<4096xf32, #tpu.memory_space<vmem>>
      %dma_wait3A_298 = tpu.memref_slice %arg2[%add3A_294] : memref<16777216xf32, #tpu.memory_space<hbm>> -> memref<4096xf32, #tpu.memory_space<hbm>>
      %dma_wait3A_299 = tpu.memref_slice %arg12[%dma_wait3A_295] : memref<2x!tpu.dma_semaphore, #tpu.memory_space<semaphore_mem>> -> memref<1x!tpu.dma_semaphore, #tpu.memory_space<semaphore_mem>>
      %dma_wait3A_300 = tpu.memref_squeeze %dma_wait3A_299 : memref<1x!tpu.dma_semaphore, #tpu.memory_space<semaphore_mem>> -> memref<!tpu.dma_semaphore, #tpu.memory_space<semaphore_mem>>
      %dma_wait3A_301 = arith.constant 4096 : i32
      %dma_wait3A_302 = tpu.memref_slice %arg6[%dma_wait3A_301] : memref<16384xf32, #tpu.memory_space<vmem>> -> memref<4096xf32, #tpu.memory_space<vmem>>
      %dma_wait3A_303 = tpu.memref_slice %arg2[%add3A_294] : memref<16777216xf32, #tpu.memory_space<hbm>> -> memref<4096xf32, #tpu.memory_space<hbm>>
      tpu.wait_dma2 semaphore(%dma_wait3A_300 : memref<!tpu.dma_semaphore, #tpu.memory_space<semaphore_mem>>) src(%dma_wait3A_303 : memref<4096xf32, #tpu.memory_space<hbm>>) dst(%dma_wait3A_302 : memref<4096xf32, #tpu.memory_space<vmem>>)
      %dma_wait3A_304 = arith.constant 1 : i32
      %dma_wait3A_305 = arith.constant 4096 : i32
      %dma_wait3A_306 = tpu.memref_slice %arg8[%dma_wait3A_305] : memref<16384xf32, #tpu.memory_space<vmem>> -> memref<4096xf32, #tpu.memory_space<vmem>>
      %dma_wait3A_307 = tpu.memref_slice %arg3[%add3A_294] : memref<16777216xf32, #tpu.memory_space<hbm>> -> memref<4096xf32, #tpu.memory_space<hbm>>
      %dma_wait3A_308 = tpu.memref_slice %arg13[%dma_wait3A_304] : memref<2x!tpu.dma_semaphore, #tpu.memory_space<semaphore_mem>> -> memref<1x!tpu.dma_semaphore, #tpu.memory_space<semaphore_mem>>
      %dma_wait3A_309 = tpu.memref_squeeze %dma_wait3A_308 : memref<1x!tpu.dma_semaphore, #tpu.memory_space<semaphore_mem>> -> memref<!tpu.dma_semaphore, #tpu.memory_space<semaphore_mem>>
      %dma_wait3A_310 = arith.constant 4096 : i32
      %dma_wait3A_311 = tpu.memref_slice %arg8[%dma_wait3A_310] : memref<16384xf32, #tpu.memory_space<vmem>> -> memref<4096xf32, #tpu.memory_space<vmem>>
      %dma_wait3A_312 = tpu.memref_slice %arg3[%add3A_294] : memref<16777216xf32, #tpu.memory_space<hbm>> -> memref<4096xf32, #tpu.memory_space<hbm>>
      tpu.wait_dma2 semaphore(%dma_wait3A_309 : memref<!tpu.dma_semaphore, #tpu.memory_space<semaphore_mem>>) src(%dma_wait3A_312 : memref<4096xf32, #tpu.memory_space<hbm>>) dst(%dma_wait3A_311 : memref<4096xf32, #tpu.memory_space<vmem>>)
      %add3A_313 = arith.constant 8388608 : i32
      %add3A_314 = arith.addi %add3A_313, %mul3A_2 : i32
      %mul3A_315 = arith.constant 4096 : i32
      %mul3A_316 = arith.muli %add3A_259, %mul3A_315 : i32
      %add3A_317 = arith.addi %add3A_314, %mul3A_316 : i32
      %dma_wait3A_318 = arith.constant 1 : i32
      %dma_wait3A_319 = arith.constant 8192 : i32
      %dma_wait3A_320 = tpu.memref_slice %arg6[%dma_wait3A_319] : memref<16384xf32, #tpu.memory_space<vmem>> -> memref<4096xf32, #tpu.memory_space<vmem>>
      %dma_wait3A_321 = tpu.memref_slice %arg2[%add3A_317] : memref<16777216xf32, #tpu.memory_space<hbm>> -> memref<4096xf32, #tpu.memory_space<hbm>>
      %dma_wait3A_322 = tpu.memref_slice %arg12[%dma_wait3A_318] : memref<2x!tpu.dma_semaphore, #tpu.memory_space<semaphore_mem>> -> memref<1x!tpu.dma_semaphore, #tpu.memory_space<semaphore_mem>>
      %dma_wait3A_323 = tpu.memref_squeeze %dma_wait3A_322 : memref<1x!tpu.dma_semaphore, #tpu.memory_space<semaphore_mem>> -> memref<!tpu.dma_semaphore, #tpu.memory_space<semaphore_mem>>
      %dma_wait3A_324 = arith.constant 8192 : i32
      %dma_wait3A_325 = tpu.memref_slice %arg6[%dma_wait3A_324] : memref<16384xf32, #tpu.memory_space<vmem>> -> memref<4096xf32, #tpu.memory_space<vmem>>
      %dma_wait3A_326 = tpu.memref_slice %arg2[%add3A_317] : memref<16777216xf32, #tpu.memory_space<hbm>> -> memref<4096xf32, #tpu.memory_space<hbm>>
      tpu.wait_dma2 semaphore(%dma_wait3A_323 : memref<!tpu.dma_semaphore, #tpu.memory_space<semaphore_mem>>) src(%dma_wait3A_326 : memref<4096xf32, #tpu.memory_space<hbm>>) dst(%dma_wait3A_325 : memref<4096xf32, #tpu.memory_space<vmem>>)
      %dma_wait3A_327 = arith.constant 1 : i32
      %dma_wait3A_328 = arith.constant 8192 : i32
      %dma_wait3A_329 = tpu.memref_slice %arg8[%dma_wait3A_328] : memref<16384xf32, #tpu.memory_space<vmem>> -> memref<4096xf32, #tpu.memory_space<vmem>>
      %dma_wait3A_330 = tpu.memref_slice %arg3[%add3A_317] : memref<16777216xf32, #tpu.memory_space<hbm>> -> memref<4096xf32, #tpu.memory_space<hbm>>
      %dma_wait3A_331 = tpu.memref_slice %arg13[%dma_wait3A_327] : memref<2x!tpu.dma_semaphore, #tpu.memory_space<semaphore_mem>> -> memref<1x!tpu.dma_semaphore, #tpu.memory_space<semaphore_mem>>
      %dma_wait3A_332 = tpu.memref_squeeze %dma_wait3A_331 : memref<1x!tpu.dma_semaphore, #tpu.memory_space<semaphore_mem>> -> memref<!tpu.dma_semaphore, #tpu.memory_space<semaphore_mem>>
      %dma_wait3A_333 = arith.constant 8192 : i32
      %dma_wait3A_334 = tpu.memref_slice %arg8[%dma_wait3A_333] : memref<16384xf32, #tpu.memory_space<vmem>> -> memref<4096xf32, #tpu.memory_space<vmem>>
      %dma_wait3A_335 = tpu.memref_slice %arg3[%add3A_317] : memref<16777216xf32, #tpu.memory_space<hbm>> -> memref<4096xf32, #tpu.memory_space<hbm>>
      tpu.wait_dma2 semaphore(%dma_wait3A_332 : memref<!tpu.dma_semaphore, #tpu.memory_space<semaphore_mem>>) src(%dma_wait3A_335 : memref<4096xf32, #tpu.memory_space<hbm>>) dst(%dma_wait3A_334 : memref<4096xf32, #tpu.memory_space<vmem>>)
      %add3A_336 = arith.constant 12582912 : i32
      %add3A_337 = arith.addi %add3A_336, %mul3A_2 : i32
      %mul3A_338 = arith.constant 4096 : i32
      %mul3A_339 = arith.muli %add3A_259, %mul3A_338 : i32
      %add3A_340 = arith.addi %add3A_337, %mul3A_339 : i32
      %dma_wait3A_341 = arith.constant 1 : i32
      %dma_wait3A_342 = arith.constant 12288 : i32
      %dma_wait3A_343 = tpu.memref_slice %arg6[%dma_wait3A_342] : memref<16384xf32, #tpu.memory_space<vmem>> -> memref<4096xf32, #tpu.memory_space<vmem>>
      %dma_wait3A_344 = tpu.memref_slice %arg2[%add3A_340] : memref<16777216xf32, #tpu.memory_space<hbm>> -> memref<4096xf32, #tpu.memory_space<hbm>>
      %dma_wait3A_345 = tpu.memref_slice %arg12[%dma_wait3A_341] : memref<2x!tpu.dma_semaphore, #tpu.memory_space<semaphore_mem>> -> memref<1x!tpu.dma_semaphore, #tpu.memory_space<semaphore_mem>>
      %dma_wait3A_346 = tpu.memref_squeeze %dma_wait3A_345 : memref<1x!tpu.dma_semaphore, #tpu.memory_space<semaphore_mem>> -> memref<!tpu.dma_semaphore, #tpu.memory_space<semaphore_mem>>
      %dma_wait3A_347 = arith.constant 12288 : i32
      %dma_wait3A_348 = tpu.memref_slice %arg6[%dma_wait3A_347] : memref<16384xf32, #tpu.memory_space<vmem>> -> memref<4096xf32, #tpu.memory_space<vmem>>
      %dma_wait3A_349 = tpu.memref_slice %arg2[%add3A_340] : memref<16777216xf32, #tpu.memory_space<hbm>> -> memref<4096xf32, #tpu.memory_space<hbm>>
      tpu.wait_dma2 semaphore(%dma_wait3A_346 : memref<!tpu.dma_semaphore, #tpu.memory_space<semaphore_mem>>) src(%dma_wait3A_349 : memref<4096xf32, #tpu.memory_space<hbm>>) dst(%dma_wait3A_348 : memref<4096xf32, #tpu.memory_space<vmem>>)
      %dma_wait3A_350 = arith.constant 1 : i32
      %dma_wait3A_351 = arith.constant 12288 : i32
      %dma_wait3A_352 = tpu.memref_slice %arg8[%dma_wait3A_351] : memref<16384xf32, #tpu.memory_space<vmem>> -> memref<4096xf32, #tpu.memory_space<vmem>>
      %dma_wait3A_353 = tpu.memref_slice %arg3[%add3A_340] : memref<16777216xf32, #tpu.memory_space<hbm>> -> memref<4096xf32, #tpu.memory_space<hbm>>
      %dma_wait3A_354 = tpu.memref_slice %arg13[%dma_wait3A_350] : memref<2x!tpu.dma_semaphore, #tpu.memory_space<semaphore_mem>> -> memref<1x!tpu.dma_semaphore, #tpu.memory_space<semaphore_mem>>
      %dma_wait3A_355 = tpu.memref_squeeze %dma_wait3A_354 : memref<1x!tpu.dma_semaphore, #tpu.memory_space<semaphore_mem>> -> memref<!tpu.dma_semaphore, #tpu.memory_space<semaphore_mem>>
      %dma_wait3A_356 = arith.constant 12288 : i32
      %dma_wait3A_357 = tpu.memref_slice %arg8[%dma_wait3A_356] : memref<16384xf32, #tpu.memory_space<vmem>> -> memref<4096xf32, #tpu.memory_space<vmem>>
      %dma_wait3A_358 = tpu.memref_slice %arg3[%add3A_340] : memref<16777216xf32, #tpu.memory_space<hbm>> -> memref<4096xf32, #tpu.memory_space<hbm>>
      tpu.wait_dma2 semaphore(%dma_wait3A_355 : memref<!tpu.dma_semaphore, #tpu.memory_space<semaphore_mem>>) src(%dma_wait3A_358 : memref<4096xf32, #tpu.memory_space<hbm>>) dst(%dma_wait3A_357 : memref<4096xf32, #tpu.memory_space<vmem>>)
      %ge3A_359 = arith.constant 2 : i32
      %ge3A_360 = arith.cmpi sge, %add3A_259, %ge3A_359 : i32
      %convert_element_type3A_361 = arith.extui %ge3A_360 : i1 to i32
      %cond3A_362 = arith.constant 0 : i32
      %cond3A_363 = arith.cmpi ne, %convert_element_type3A_361, %cond3A_362 : i32
      scf.if %cond3A_363 {
        %sub3A = arith.constant 2 : i32
        %sub3A_385 = arith.subi %add3A_259, %sub3A : i32
        %add3A_386 = arith.addi %mul3A_4, %sub3A_385 : i32
        %shift_right_arithmetic3A_387 = arith.constant 3 : i32
        %shift_right_arithmetic3A_388 = arith.shrsi %add3A_386, %shift_right_arithmetic3A_387 : i32
        %and3A_389 = arith.constant 7 : i32
        %and3A_390 = arith.andi %add3A_386, %and3A_389 : i32
        %dma_wait3A_391 = arith.constant 1 : i32
        %dma_wait3A_392 = arith.constant 0 : i32
        %dma_wait3A_393 = arith.constant 0 : i32
        %dma_wait3A_394 = tpu.memref_slice %arg4[%shift_right_arithmetic3A_388, %dma_wait3A_392, %and3A_390, %dma_wait3A_393] : memref<128x128x8x128xf32, #tpu.memory_space<hbm>> -> memref<1x128x1x128xf32, #tpu.memory_space<hbm>>
        %dma_wait3A_395 = tpu.memref_squeeze %dma_wait3A_394 : memref<1x128x1x128xf32, #tpu.memory_space<hbm>> -> memref<128x128xf32, #tpu.memory_space<hbm>>
        %dma_wait3A_396 = tpu.memref_slice %arg14[%dma_wait3A_391] : memref<2x!tpu.dma_semaphore, #tpu.memory_space<semaphore_mem>> -> memref<1x!tpu.dma_semaphore, #tpu.memory_space<semaphore_mem>>
        %dma_wait3A_397 = tpu.memref_squeeze %dma_wait3A_396 : memref<1x!tpu.dma_semaphore, #tpu.memory_space<semaphore_mem>> -> memref<!tpu.dma_semaphore, #tpu.memory_space<semaphore_mem>>
        %dma_wait3A_398 = arith.constant 0 : i32
        %dma_wait3A_399 = arith.constant 0 : i32
        %dma_wait3A_400 = tpu.memref_slice %arg4[%shift_right_arithmetic3A_388, %dma_wait3A_398, %and3A_390, %dma_wait3A_399] : memref<128x128x8x128xf32, #tpu.memory_space<hbm>> -> memref<1x128x1x128xf32, #tpu.memory_space<hbm>>
        %dma_wait3A_401 = tpu.memref_squeeze %dma_wait3A_400 : memref<1x128x1x128xf32, #tpu.memory_space<hbm>> -> memref<128x128xf32, #tpu.memory_space<hbm>>
        tpu.wait_dma2 semaphore(%dma_wait3A_397 : memref<!tpu.dma_semaphore, #tpu.memory_space<semaphore_mem>>) src(%arg10 : memref<128x128xf32, #tpu.memory_space<vmem>>) dst(%dma_wait3A_401 : memref<128x128xf32, #tpu.memory_space<hbm>>)
      } else {
      }
      %scan3A_364 = arith.constant 0 : i32
      %scan3A_365 = arith.constant 32 : i32
      %scan3A_366 = arith.addi %scan3A_364, %scan3A_365 : i32
      %scan3A_367 = arith.constant 1 : i32
      scf.for %scan3A_385 = %scan3A_364 to %scan3A_366 step %scan3A_367  : i32 {
        %mul3A_386 = arith.constant 1 : i32
        %mul3A_387 = arith.muli %scan3A_385, %mul3A_386 : i32
        %add3A_388 = arith.constant 0 : i32
        %add3A_389 = arith.addi %add3A_388, %mul3A_387 : i32
        %shift_right_arithmetic3A_390 = arith.constant 3 : i32
        %shift_right_arithmetic3A_391 = arith.shrsi %add3A_389, %shift_right_arithmetic3A_390 : i32
        %mul3A_392 = arith.constant 1024 : i32
        %mul3A_393 = arith.muli %shift_right_arithmetic3A_391, %mul3A_392 : i32
        %and3A_394 = arith.constant 7 : i32
        %and3A_395 = arith.andi %add3A_389, %and3A_394 : i32
        %mul3A_396 = arith.constant 16 : i32
        %mul3A_397 = arith.muli %and3A_395, %mul3A_396 : i32
        %add3A_398 = arith.addi %mul3A_393, %mul3A_397 : i32
        %parallel_loop3A = arith.constant 0 : i32
        %parallel_loop3A_399 = arith.constant 32 : i32
        %parallel_loop3A_400 = arith.constant 1 : i32
        %parallel_loop3A_401 = scf.for %parallel_loop3A_408 = %parallel_loop3A to %parallel_loop3A_399 step %parallel_loop3A_400 iter_args(%parallel_loop3A_409 = %iota3A) -> (vector<16xi32>)  : i32 {
          %parallel_loop3A_410 = arith.constant 3 : i32
          %parallel_loop3A_411 = arith.shrsi %parallel_loop3A_408, %parallel_loop3A_410 : i32
          %parallel_loop3A_412 = arith.constant 4096 : i32
          %parallel_loop3A_413 = arith.muli %parallel_loop3A_411, %parallel_loop3A_412 : i32
          %parallel_loop3A_414 = arith.constant 7 : i32
          %parallel_loop3A_415 = arith.andi %parallel_loop3A_408, %parallel_loop3A_414 : i32
          %parallel_loop3A_416 = arith.constant 128 : i32
          %parallel_loop3A_417 = arith.muli %parallel_loop3A_415, %parallel_loop3A_416 : i32
          %parallel_loop3A_418 = arith.addi %parallel_loop3A_413, %parallel_loop3A_417 : i32
          %parallel_loop3A_419 = arith.addi %parallel_loop3A_418, %add3A_398 : i32
          %parallel_loop3A_420 = arith.index_cast %parallel_loop3A_419 : i32 to index
          %parallel_loop3A_421 = tpu.vector_load %arg6[%parallel_loop3A_420] {strides = array<i32>} : memref<16384xf32, #tpu.memory_space<vmem>>, vector<16xf32>,
          %parallel_loop3A_422 = arith.index_cast %parallel_loop3A_419 : i32 to index
          %parallel_loop3A_423 = tpu.vector_load %arg8[%parallel_loop3A_422] {strides = array<i32>} : memref<16384xf32, #tpu.memory_space<vmem>>, vector<16xf32>,
          %parallel_loop3A_424 = arith.mulf %parallel_loop3A_421, %parallel_loop3A_423 : vector<16xf32>
          tpu.vector_store_idx %arg11[%parallel_loop3A_409], %parallel_loop3A_424 : memref<544xf32, #tpu.memory_space<vmem>>[vector<16xi32>], vector<16xf32>,
          %parallel_loop3A_425 = arith.constant 17 : i32
          %parallel_loop3A_426 = vector.broadcast %parallel_loop3A_425 : i32 to vector<16xi32>
          %parallel_loop3A_427 = arith.addi %parallel_loop3A_409, %parallel_loop3A_426 : vector<16xi32>
          scf.yield %parallel_loop3A_427 : vector<16xi32>
        } {sc.loop_unroll_factor = 4 : i64, sc.parallel_access}
        %mul3A_402 = arith.constant 512 : i32
        %mul3A_403 = arith.muli %add3A_389, %mul3A_402 : i32
        %parallel_loop3A_404 = arith.constant 0 : i32
        %parallel_loop3A_405 = arith.constant 16 : i32
        %parallel_loop3A_406 = arith.constant 1 : i32
        %parallel_loop3A_407 = scf.for %parallel_loop3A_408 = %parallel_loop3A_404 to %parallel_loop3A_405 step %parallel_loop3A_406 iter_args(%parallel_loop3A_409 = %mul3A_7) -> (vector<16xi32>)  : i32 {
          %parallel_loop3A_410 = tpu.vector_load_idx %arg11[%parallel_loop3A_409] : memref<544xf32, #tpu.memory_space<vmem>>[vector<16xi32>], vector<16xf32>,
          %parallel_loop3A_411 = arith.constant 272 : i32
          %parallel_loop3A_412 = vector.broadcast %parallel_loop3A_411 : i32 to vector<16xi32>
          %parallel_loop3A_413 = arith.addi %parallel_loop3A_409, %parallel_loop3A_412 : vector<16xi32>
          %parallel_loop3A_414 = tpu.vector_load_idx %arg11[%parallel_loop3A_413] : memref<544xf32, #tpu.memory_space<vmem>>[vector<16xi32>], vector<16xf32>,
          %parallel_loop3A_415 = arith.constant 32 : i32
          %parallel_loop3A_416 = arith.muli %parallel_loop3A_408, %parallel_loop3A_415 : i32
          %parallel_loop3A_417 = arith.addi %mul3A_403, %parallel_loop3A_416 : i32
          %parallel_loop3A_418 = arith.constant 7 : i32
          %parallel_loop3A_419 = arith.shrsi %parallel_loop3A_417, %parallel_loop3A_418 : i32
          %parallel_loop3A_420 = arith.constant 96 : i32
          %parallel_loop3A_421 = arith.andi %parallel_loop3A_417, %parallel_loop3A_420 : i32
          %parallel_loop3A_422 = arith.index_cast %parallel_loop3A_419 : i32 to index
          %parallel_loop3A_423 = arith.index_cast %parallel_loop3A_421 : i32 to index
          %parallel_loop3A_424 = tpu.vector_load %arg10[%parallel_loop3A_422, %parallel_loop3A_423] {strides = array<i32>} : memref<128x128xf32, #tpu.memory_space<vmem>>, vector<16xf32>,
          tpu.vector_store %arg10[%parallel_loop3A_422, %parallel_loop3A_423], %parallel_loop3A_410 {strides = array<i32>} : memref<128x128xf32, #tpu.memory_space<vmem>>, vector<16xf32>,
          %parallel_loop3A_425 = arith.constant 16 : i32
          %parallel_loop3A_426 = arith.addi %parallel_loop3A_421, %parallel_loop3A_425 : i32
          %parallel_loop3A_427 = arith.index_cast %parallel_loop3A_419 : i32 to index
          %parallel_loop3A_428 = arith.index_cast %parallel_loop3A_426 : i32 to index
          %parallel_loop3A_429 = tpu.vector_load %arg10[%parallel_loop3A_427, %parallel_loop3A_428] {strides = array<i32>} : memref<128x128xf32, #tpu.memory_space<vmem>>, vector<16xf32>,
          tpu.vector_store %arg10[%parallel_loop3A_427, %parallel_loop3A_428], %parallel_loop3A_414 {strides = array<i32>} : memref<128x128xf32, #tpu.memory_space<vmem>>, vector<16xf32>,
          %parallel_loop3A_430 = arith.constant 1 : i32
          %parallel_loop3A_431 = vector.broadcast %parallel_loop3A_430 : i32 to vector<16xi32>
          %parallel_loop3A_432 = arith.addi %parallel_loop3A_409, %parallel_loop3A_431 : vector<16xi32>
          scf.yield %parallel_loop3A_432 : vector<16xi32>
        } {sc.loop_unroll_factor = 4 : i64, sc.parallel_access}
      }
      %scan3A_368 = arith.constant 32 : i32
      %add3A_369 = arith.addi %mul3A_4, %add3A_259 : i32
      %shift_right_arithmetic3A_370 = arith.constant 3 : i32
      %shift_right_arithmetic3A_371 = arith.shrsi %add3A_369, %shift_right_arithmetic3A_370 : i32
      %and3A_372 = arith.constant 7 : i32
      %and3A_373 = arith.andi %add3A_369, %and3A_372 : i32
      %dma_start3A_374 = arith.constant 1 : i32
      %dma_start3A_375 = arith.constant 0 : i32
      %dma_start3A_376 = arith.constant 0 : i32
      %dma_start3A_377 = tpu.memref_slice %arg4[%shift_right_arithmetic3A_371, %dma_start3A_375, %and3A_373, %dma_start3A_376] : memref<128x128x8x128xf32, #tpu.memory_space<hbm>> -> memref<1x128x1x128xf32, #tpu.memory_space<hbm>>
      %dma_start3A_378 = tpu.memref_squeeze %dma_start3A_377 : memref<1x128x1x128xf32, #tpu.memory_space<hbm>> -> memref<128x128xf32, #tpu.memory_space<hbm>>
      %dma_start3A_379 = tpu.memref_slice %arg14[%dma_start3A_374] : memref<2x!tpu.dma_semaphore, #tpu.memory_space<semaphore_mem>> -> memref<1x!tpu.dma_semaphore, #tpu.memory_space<semaphore_mem>>
      %dma_start3A_380 = tpu.memref_squeeze %dma_start3A_379 : memref<1x!tpu.dma_semaphore, #tpu.memory_space<semaphore_mem>> -> memref<!tpu.dma_semaphore, #tpu.memory_space<semaphore_mem>>
      %dma_start3A_381 = arith.constant 0 : i32
      %dma_start3A_382 = arith.constant 0 : i32
      %dma_start3A_383 = tpu.memref_slice %arg4[%shift_right_arithmetic3A_371, %dma_start3A_381, %and3A_373, %dma_start3A_382] : memref<128x128x8x128xf32, #tpu.memory_space<hbm>> -> memref<1x128x1x128xf32, #tpu.memory_space<hbm>>
      %dma_start3A_384 = tpu.memref_squeeze %dma_start3A_383 : memref<1x128x1x128xf32, #tpu.memory_space<hbm>> -> memref<128x128xf32, #tpu.memory_space<hbm>>
      tpu.enqueue_dma source(%arg10 : memref<128x128xf32, #tpu.memory_space<vmem>>) target(%dma_start3A_384 : memref<128x128xf32, #tpu.memory_space<hbm>>) target_semaphore(%dma_start3A_380 : memref<!tpu.dma_semaphore, #tpu.memory_space<semaphore_mem>>)
    }
    %scan3A_98 = arith.constant 16 : i32
    %add3A_99 = arith.constant 30 : i32
    %add3A_100 = arith.addi %mul3A_4, %add3A_99 : i32
    %shift_right_arithmetic3A = arith.constant 3 : i32
    %shift_right_arithmetic3A_101 = arith.shrsi %add3A_100, %shift_right_arithmetic3A : i32
    %and3A = arith.constant 7 : i32
    %and3A_102 = arith.andi %add3A_100, %and3A : i32
    %dma_wait3A = arith.constant 0 : i32
    %dma_wait3A_103 = arith.constant 0 : i32
    %dma_wait3A_104 = arith.constant 0 : i32
    %dma_wait3A_105 = tpu.memref_slice %arg4[%shift_right_arithmetic3A_101, %dma_wait3A_103, %and3A_102, %dma_wait3A_104] : memref<128x128x8x128xf32, #tpu.memory_space<hbm>> -> memref<1x128x1x128xf32, #tpu.memory_space<hbm>>
    %dma_wait3A_106 = tpu.memref_squeeze %dma_wait3A_105 : memref<1x128x1x128xf32, #tpu.memory_space<hbm>> -> memref<128x128xf32, #tpu.memory_space<hbm>>
    %dma_wait3A_107 = tpu.memref_slice %arg14[%dma_wait3A] : memref<2x!tpu.dma_semaphore, #tpu.memory_space<semaphore_mem>> -> memref<1x!tpu.dma_semaphore, #tpu.memory_space<semaphore_mem>>
    %dma_wait3A_108 = tpu.memref_squeeze %dma_wait3A_107 : memref<1x!tpu.dma_semaphore, #tpu.memory_space<semaphore_mem>> -> memref<!tpu.dma_semaphore, #tpu.memory_space<semaphore_mem>>
    %dma_wait3A_109 = arith.constant 0 : i32
    %dma_wait3A_110 = arith.constant 0 : i32
    %dma_wait3A_111 = tpu.memref_slice %arg4[%shift_right_arithmetic3A_101, %dma_wait3A_109, %and3A_102, %dma_wait3A_110] : memref<128x128x8x128xf32, #tpu.memory_space<hbm>> -> memref<1x128x1x128xf32, #tpu.memory_space<hbm>>
    %dma_wait3A_112 = tpu.memref_squeeze %dma_wait3A_111 : memref<1x128x1x128xf32, #tpu.memory_space<hbm>> -> memref<128x128xf32, #tpu.memory_space<hbm>>
    tpu.wait_dma2 semaphore(%dma_wait3A_108 : memref<!tpu.dma_semaphore, #tpu.memory_space<semaphore_mem>>) src(%arg9 : memref<128x128xf32, #tpu.memory_space<vmem>>) dst(%dma_wait3A_112 : memref<128x128xf32, #tpu.memory_space<hbm>>)
    %add3A_113 = arith.constant 31 : i32
    %add3A_114 = arith.addi %mul3A_4, %add3A_113 : i32
    %shift_right_arithmetic3A_115 = arith.constant 3 : i32
    %shift_right_arithmetic3A_116 = arith.shrsi %add3A_114, %shift_right_arithmetic3A_115 : i32
    %and3A_117 = arith.constant 7 : i32
    %and3A_118 = arith.andi %add3A_114, %and3A_117 : i32
    %dma_wait3A_119 = arith.constant 1 : i32
    %dma_wait3A_120 = arith.constant 0 : i32
    %dma_wait3A_121 = arith.constant 0 : i32
    %dma_wait3A_122 = tpu.memref_slice %arg4[%shift_right_arithmetic3A_116, %dma_wait3A_120, %and3A_118, %dma_wait3A_121] : memref<128x128x8x128xf32, #tpu.memory_space<hbm>> -> memref<1x128x1x128xf32, #tpu.memory_space<hbm>>
    %dma_wait3A_123 = tpu.memref_squeeze %dma_wait3A_122 : memref<1x128x1x128xf32, #tpu.memory_space<hbm>> -> memref<128x128xf32, #tpu.memory_space<hbm>>
    %dma_wait3A_124 = tpu.memref_slice %arg14[%dma_wait3A_119] : memref<2x!tpu.dma_semaphore, #tpu.memory_space<semaphore_mem>> -> memref<1x!tpu.dma_semaphore, #tpu.memory_space<semaphore_mem>>
    %dma_wait3A_125 = tpu.memref_squeeze %dma_wait3A_124 : memref<1x!tpu.dma_semaphore, #tpu.memory_space<semaphore_mem>> -> memref<!tpu.dma_semaphore, #tpu.memory_space<semaphore_mem>>
    %dma_wait3A_126 = arith.constant 0 : i32
    %dma_wait3A_127 = arith.constant 0 : i32
    %dma_wait3A_128 = tpu.memref_slice %arg4[%shift_right_arithmetic3A_116, %dma_wait3A_126, %and3A_118, %dma_wait3A_127] : memref<128x128x8x128xf32, #tpu.memory_space<hbm>> -> memref<1x128x1x128xf32, #tpu.memory_space<hbm>>
    %dma_wait3A_129 = tpu.memref_squeeze %dma_wait3A_128 : memref<1x128x1x128xf32, #tpu.memory_space<hbm>> -> memref<128x128xf32, #tpu.memory_space<hbm>>
    tpu.wait_dma2 semaphore(%dma_wait3A_125 : memref<!tpu.dma_semaphore, #tpu.memory_space<semaphore_mem>>) src(%arg10 : memref<128x128xf32, #tpu.memory_space<vmem>>) dst(%dma_wait3A_129 : memref<128x128xf32, #tpu.memory_space<hbm>>)
    return
  }
}

</mosaic_0001>

<sc_bundles>
// kernel: kernel.3.cloned.1.call-start
scs
__scs_entry_jumppad:
0x0: {  	(pc) =	sbr.rel $0x88, $3  }
0x1: {  	(tag) =	ssettag $0x0;
	lr =	simm.s32 $0x1  }
0x2: {  	[smem:$0x3F9F] =	sst lr;
	_ =	strace $0xD0000000  }
0x3: {  	_ = 	snop  }
0x4: {  	_ = 	snop  }
0x5: {  	_ = 	snop  }
0x6: {  	_ = 	snop  }
0x7: {  	_ = 	snop  }
__scs_overlays_trampoline_lowered:
0x8: {  	[smem:$0x3FAE] =	sst s0  }
0x9: {  	[smem:$0x3FAF] =	sst s1  }
0xa: {  	[smem:$0x3FB0] =	sst s2  }
0xb: {  	[smem:$0x3FB1] =	sst s3  }
0xc: {  	[smem:$0x3FB2] =	sst s4  }
0xd: {  	[smem:$0x3FB3] =	sst s5  }
0xe: {  	[smem:$0x3FB4] =	sst s6  }
0xf: {  	[smem:$0x3FB5] =	sst s7  }
0x10: {  	[smem:$0x3FB6] =	sst s8  }
0x11: {  	[smem:$0x3FB7] =	sst s9;
	s0 =	simm.s32 @!p0 $0x0  }
0x12: {  	s1 =	sld [smem:$0x3F9D];
	s0 =	simm.s32 @p0 $0x1  }
0x13: {  	[smem:$0x3FB8] =	sst s0;
	s0 =	simm.s32 @!p1 $0x0  }
0x14: {  	s2 =	sld [smem:$0x3F9C];
	s0 =	simm.s32 @p1 $0x1  }
0x15: {  	[smem:$0x3FB9] =	sst s0;
	s0 =	simm.s32 @!p2 $0x0  }
0x16: {  	s3 =	sld [smem:$0x3FDB];
	s0 =	simm.s32 @p2 $0x1  }
0x17: {  	s4 =	simm.s32 $0x1BF5;
	[smem:$0x3FBB] =	sst s0  }
0x18: {  	s0 =	sld [smem:$0x3F9E];
	_ =	swait.ge [sflag:s4], $0x0  }
0x19: {  	s7 =	sld [smem:$0x3F9F]  }
0x1a: {  	s8 =	sadd.s32 $0xFFFFE003, lr  }
0x1b: {  	s9 =	sadd.s32 $0xFFFFFEF7, lr;
	s5 =	simm.s32 $0xFFFFFFFF;
	p2 =	slt.u32 s8, $0xFFFFF086  }
0x1c: {  	p1 =	slt.u32 s9, $0xF7A;
	s5 =	simm.s32 @!p2 $0x0  }
0x1d: {  	s5 =	simm.s32 @p1 $0x1;
	p0 =	seq.s32 s7, s2  }
0x1e: {  	s7 =	smul.u32 @!p0 $0xF7A, s2;
	p2 =	seq.s32 @!p0 s5, $0x0  }
0x1f: {  	s9 =	smul.u32 $0xF7A, s1;
	s8 =	simm.s32 @!p0 $0x1BF5;
	p2 =	por !p2, p0  }
0x20: {  	[sflag:s8] =	ssyncset.s32 @!p0 $0xFFFFF086;
	s6 =	sadd.s32 @!p0 s3, s7;
	s7 =	simm.s32 @!p0 $0x108  }
0x21: {  	s3 =	sadd.s32 s3, s9;
	s6 =	sadd.s32 @!p0 $0x88, s6;
	s7 =	simm.s32 @p2 $0x1082  }
0x22: {  	[simem:s7], [sflag:s8] =	dma.local @!p0 [hbm:s6], $0xF7A  }
0x23: {  	s9 =	sor.u32 $0xD0000000, s2;
	s6 =	simm.s32 $0x108;
	_ =	swait.ge @!p0 [sflag:s8], $0x0  }
0x24: {  	s3 =	sadd.s32 $0x88, s3;
	s6 =	simm.s32 @!p1 $0x1082;
	[sflag:s4] =	ssyncset.s32 $0xFFFFF086  }
0x25: {  	[simem:s6], [sflag:s4] =	dma.local [hbm:s3], $0xF7A  }
0x26: {  	[smem:$0x3F9F] =	sst s1;
	(tag) =	ssettag s2;
	_ =	strace s9  }
0x27: {  	s1 =	sld [smem:$0x3FAF]  }
0x28: {  	s2 =	sld [smem:$0x3FB0]  }
0x29: {  	s4 =	sld [smem:$0x3FB2]  }
0x2a: {  	p0 =	seq.s32 s5, $0x0;
	s5 =	sld [smem:$0x3FB3]  }
0x2b: {  	s6 =	sld [smem:$0x3FB4]  }
0x2c: {  	s7 =	sld [smem:$0x3FB5]  }
0x2d: {  	s3 =	simm.s32 $0x108;
	s8 =	sld [smem:$0x3FB6]  }
0x2e: {  	s3 =	simm.s32 @!p0 $0x1082;
	s9 =	sld [smem:$0x3FB7]  }
0x2f: {  	lr =	sadd.s32 s0, s3;
	s0 =	sld [smem:$0x3FAE]  }
0x30: {  	s3 =	sld [smem:$0x3FB1]  }
0x31: {  	[smem:$0x3FBA] =	sst s10  }
0x32: {  	s10 =	sld [smem:$0x3FB8];
	_ =	sdelay $0x3  }
0x33: {  	p0 =	seq.s32 s10, $0x1;
	s10 =	sld [smem:$0x3FBA];
	_ =	sdelay $0x3  }
0x34: {  	[smem:$0x3FBA] =	sst s10  }
0x35: {  	s10 =	sld [smem:$0x3FB9];
	_ =	sdelay $0x3  }
0x36: {  	p1 =	seq.s32 s10, $0x1;
	s10 =	sld [smem:$0x3FBA];
	_ =	sdelay $0x3  }
0x37: {  	[smem:$0x3FBA] =	sst s10  }
0x38: {  	s10 =	sld [smem:$0x3FBB]  }
0x39: {  	_ = 	snop;
	(pc) =	sbr.ind lr, $3  }
0x3a: {  	_ = 	snop  }
0x3b: {  	_ = 	snop  }
0x3c: {  	p2 =	seq.s32 s10, $0x1;
	s10 =	sld [smem:$0x3FBA]  }
0x3d: {  	_ =	shalt  }
0x3e: {  	_ =	shalt  }
0x3f: {  	_ =	shalt  }
0x40: {  	_ =	shalt  }
0x41: {  	_ =	shalt  }
0x42: {  	_ =	shalt  }
0x43: {  	_ =	shalt  }
0x44: {  	_ =	shalt  }
0x45: {  	_ =	shalt  }
0x46: {  	_ =	shalt  }
0x47: {  	_ =	shalt  }
0x48: {  	_ =	shalt  }
0x49: {  	_ =	shalt  }
0x4a: {  	_ =	shalt  }
0x4b: {  	_ =	shalt  }
0x4c: {  	_ =	shalt  }
0x4d: {  	_ =	shalt  }
0x4e: {  	_ =	shalt  }
0x4f: {  	_ =	shalt  }
0x50: {  	_ =	shalt  }
0x51: {  	_ =	shalt  }
0x52: {  	_ =	shalt  }
0x53: {  	_ =	shalt  }
0x54: {  	_ =	shalt  }
0x55: {  	_ =	shalt  }
0x56: {  	_ =	shalt  }
0x57: {  	_ =	shalt  }
0x58: {  	_ =	shalt  }
0x59: {  	_ =	shalt  }
0x5a: {  	_ =	shalt  }
0x5b: {  	_ =	shalt  }
0x5c: {  	_ =	shalt  }
0x5d: {  	_ =	shalt  }
0x5e: {  	_ =	shalt  }
0x5f: {  	_ =	shalt  }
0x60: {  	_ =	shalt  }
0x61: {  	_ =	shalt  }
0x62: {  	_ =	shalt  }
0x63: {  	_ =	shalt  }
0x64: {  	_ =	shalt  }
0x65: {  	_ =	shalt  }
0x66: {  	_ =	shalt  }
0x67: {  	_ =	shalt  }
0x68: {  	_ =	shalt  }
0x69: {  	_ =	shalt  }
0x6a: {  	_ =	shalt  }
0x6b: {  	_ =	shalt  }
0x6c: {  	_ =	shalt  }
0x6d: {  	_ =	shalt  }
0x6e: {  	_ =	shalt  }
0x6f: {  	_ =	shalt  }
0x70: {  	_ =	shalt  }
0x71: {  	_ =	shalt  }
0x72: {  	_ =	shalt  }
0x73: {  	_ =	shalt  }
0x74: {  	_ =	shalt  }
0x75: {  	_ =	shalt  }
0x76: {  	_ =	shalt  }
0x77: {  	_ =	shalt  }
0x78: {  	_ =	shalt  }
0x79: {  	_ =	shalt  }
0x7a: {  	_ =	shalt  }
0x7b: {  	_ =	shalt  }
0x7c: {  	_ =	shalt  }
0x7d: {  	_ =	shalt  }
0x7e: {  	_ =	shalt  }
0x7f: {  	_ =	shalt  }
0x80: {  	_ =	shalt  }
0x81: {  	_ =	shalt  }
0x82: {  	_ =	shalt  }
0x83: {  	_ =	shalt  }
0x84: {  	_ =	shalt  }
0x85: {  	_ =	shalt  }
0x86: {  	_ =	shalt  }
0x87: {  	_ =	shalt  }
.Lfunc_end0:
.L_simem_size_0:
called_computation_lowered:
.L_overlay_start_0:
0x88: {  	s2 =	sld [smem:$0x3FD9]  }
0x89: {  	s3 =	sld [smem:$0x3FFE];
	_ =	sdelay $0x1  }
0x8a: {  	s1 =	srdreg.scid  }
0x8b: {  	s0 =	sand.u32 $0x1, s1  }
0x8c: {  	s18 =	sshll.u32 s0, $0xA;
	s2 =	sadd.s32 s3, s2  }
0x8d: {  	s2 =	sadd.s32 s2, s18  }
0x8e: {  	[smem:$0x3FC6] =	sst s2  }
0x8f: {  	_ = 	snop  }
0x90: {  	s2 =	sld [smem:$0x3FC9]  }
0x91: {  	s19 =	sld [smem:$0x3FC8]  }
0x92: {  	s4 =	sld [smem:$0x3FD0];
	(tm) =	ssettm $0x1  }
0x93: {  	s5 =	sld [smem:$0x3FFB];
	_ =	sdelay $0x3  }
0x94: {  	_ =	strace s5  }
0x95: {  	s5 =	sld [smem:$0x3FFC];
	_ =	sdelay $0x3  }
0x96: {  	_ =	strace s5  }
0x97: {  	s5 =	sld [smem:$0x3FFD];
	_ =	sdelay $0x3  }
0x98: {  	_ =	strace s5  }
0x99: {  	_ =	strace $0x8FFFFFFF  }
0x9a: {  	s20 =	sld [smem:$0x3FDB];
	_ =	sdelay $0x1  }
0x9b: {  	s6 =	simm.s32 $_scs_section_size  }
0x9c: {  	s7 =	simm.s32 $_size__tile_overlayer_lowered;
	s8 =	simm.s32 $_tile_overlayer_lowered  }
0x9d: {  	s23 =	simm.s32 $0x1BFF;
	s22 =	sshll.u32 s8, $0x1;
	s5 =	sadd.s32 s6, s20  }
0x9e: {  	s9 =	simm.s32 $0x0;
	s21 =	sshll.u32 s7, $0x1;
	s7 =	sadd.s32 s22, s5  }
0x9f: {  	[timem:s9], [sflag:s23] =	dma.local [hbm:s7], s21  }
0xa0: {  	_ =	swait.ge [sflag:s23], s21  }
0xa1: {  	s6 =	ssub.s32 $0x0, s21;
	[sflag:s23] =	ssyncset.done $0x0  }
0xa2: {  	[sflag:s23] =	ssyncadd.s32 s6;
	_ =	sdelay $0x1  }
0xa3: {  	s24 =	simm.s32 $0x1B8B  }
0xa4: {  	_ =	swait.ge [sflag:s24], $0x1  }
0xa5: {  	[sflag:s24] =	ssyncset.done $0x0  }
0xa6: {  	s25 =	simm.s32 $0x1B8E;
	[sflag:s24] =	ssyncadd.s32 $0xFFFFFFFF  }
0xa7: {  	s26 =	simm.s32 $execute0_lowered;
	[smem:$0x3FD2] =	sst s25  }
0xa8: {  	s6 =	sshll.u32 s26, $0x1;
	_ =	strace $0x80000046;
	[dreg:$0x1] =	wrdreg $0xFFFFFFFF  }
0xa9: {  	s28 =	simm.s32 $_size_execute0_lowered;
	s5 =	sadd.s32 s5, s6;
	[dreg:$0x0] =	wrdreg $0x0  }
0xaa: {  	s6 =	sshll.u32 s28, $0x1;
	[dreg:$0x2] =	wrdreg s5  }
0xab: {  	[dreg:$0x3] =	wrdreg s6  }
0xac: {  	[dreg:$0x4] =	wrdreg $0xC0  }
0xad: {  	_ =	task [dreg:s9], $0x5FFFF  }
0xae: {  	[dreg:$0x1] =	wrdreg $0xFFFFFFFF  }
0xaf: {  	[dreg:$0x0] =	wrdreg $0x60  }
0xb0: {  	[dreg:$0x2] =	wrdreg s2  }
0xb1: {  	[dreg:$0x3] =	wrdreg s19  }
0xb2: {  	[dreg:$0x4] =	wrdreg s4  }
0xb3: {  	[dreg:$0x5] =	wrdreg $0x9  }
0xb4: {  	_ =	task.clear_ibuf [dreg:s9], $0x6FFFF;
	_ =	strace $0x90000046  }
0xb5: {  	s29 =	simm.s32 $0x9;
	_ =	strace $0x80000048  }
0xb6: {  	_ =	swait.ge [sflag:s29], $0x1  }
0xb7: {  	[sflag:s29] =	ssyncadd.s32 $0xFFFFFFFF  }
0xb8: {  	_ =	strace $0x90000048  }
0xb9: {  	_ =	sfence  }
0xba: {  	s30 =	sld [smem:$0x0];
	_ =	sdelay $0x2  }
0xbb: {  	s31 =	sshll.u32 s1, $0xD;
	s1 =	sshrl.u32 s1, $0x2  }
0xbc: {  	s3 =	sand.u32 $0x4000, s31;
	s1 =	sadd.s32 s1, s30  }
0xbd: {  	s0 =	sor.u32 s3, s0;
	s1 =	sshll.u32 s1, $0x11  }
0xbe: {  	s0 =	sor.u32 s1, s0  }
0xbf: {  	s0 =	sadd.s32 $0x8F2B, s0  }
0xc0: {  	[sflag:s0] =	ssyncadd.remote.s32 $0x1  }
0xc1: {  	_ =	sfence.sel $0xFFFF  }
0xc2: {  	[dreg:$0x0] =	wrdreg $0xFFFFFFFF;
	(pc) =	sbr.abs _section_cstart, $3  }
0xc3: {  	[dreg:$0x1] =	wrdreg $0xFFFFFFFF  }
0xc4: {  	_ =	task.clear_ibuf [dreg:s9], $0x2FFFF;
	_ =	strace $0x9FFFFFFF  }
0xc5: {  	(tm) =	ssettm $0x7FFFFFFF  }
tec
execute0_lowered:
.L_overlay_start_1:
0x0: {  	(tag) =	ssettag $0x1  }
0x1: {  	s1 =	rddreg [dreg:$0x0]  }
0x2: {  	s3 =	rddreg [dreg:$0x1]  }
0x3: {  	s4 =	rddreg [dreg:$0x2]  }
0x4: {  	s0 =	srdreg.scid;
	s2 =	stileid.u32  }
0x5: {  	s5 =	simm.s32 $0x0;
	s22 =	simm.s32 $0x1;
	s0 =	sand.u32 $0x1, s0  }
0x6: {  	s2 =	sshll.u32 s2, $0x1;
	[smem:$0x7FF] =	sst s5;
	s7 =	ssub.s32 $0x2, s0  }
0x7: {  	s0 =	sor.u32 s0, s2;
	_ =	strace $0x80000047;
	s23 =	sshrl.u32 s7, $0x1  }
0x8: {  	s6 =	sshll.u32 s0, $0x11;
	s8 =	sshll.u32 s0, $0xE;
	s0 =	sshll.u32 s0, $0x10  }
0x9: {  	s2 =	ssub.s32 s7, s23;
	s7 =	sor.u32 $0x400000, s6;
	s9 =	sadd.s32 s1, s8  }
0xa: {  	s8 =	sadd.s32 s3, s8;
	s11 =	sor.u32 $0x800000, s6;
	[dreg:$0xc] =	wrdreg s0  }
0xb: {  	s12 =	sor.u32 $0xC00000, s6;
	s23 =	simm.s32 $0x3;
	[dreg:$0x4] =	wrdreg s9  }
0xc: {  	[dreg:$0x5] =	wrdreg s8;
	s24 =	sshrl.u32 s7, $0x3;
	s31 =	smax.u32 s2, $0x1  }
0xd: {  	s26 =	sshrl.u32 s11, $0x3;
	s25 =	sadd.s32 s1, s24;
	[dreg:$0xd] =	wrdreg s31  }
0xe: {  	s28 =	sshrl.u32 s12, $0x3;
	s8 =	sadd.s32 s3, s24;
	[dreg:$0x6] =	wrdreg s25  }
0xf: {  	s9 =	simm.s32 $0x2;
	s10 =	sadd.s32 s1, s26;
	[dreg:$0x7] =	wrdreg s8  }
0x10: {  	s29 =	sadd.s32 s1, s28;
	s30 =	sadd.s32 s3, s28;
	[dreg:$0x8] =	wrdreg s10  }
0x11: {  	s24 =	simm.s32 $0x18000;
	s8 =	sadd.s32 s3, s26;
	[dreg:$0xa] =	wrdreg s29  }
0x12: {  	v0 =	vlaneseq.u32;
	[dreg:$0xb] =	wrdreg s30;
	s25 =	simm.s32 $0x80;
	s26 =	simm.s32 $0x400  }
0x13: {  	v0 =	vmul.u32 $0x11, v0;
	s10 =	simm.s32 $0x4;
	[dreg:$0x9] =	wrdreg s8;
	s8 =	simm.s32 $0x0  }
.LBB2_1:
0x14: {  	[dreg:$0xe] =	wrdreg s8  }
0x15: {  	s0 =	rddreg [dreg:$0x4]  }
0x16: {  	[tilespmem:s5], [sflag:$0x1] =	stream.linear.gather [hbm4b:s0+s5], $0x1000, $0x38;
	[tilespmem:$0x18280] =	vst v63  }
0x17: {  	s13 =	rddreg [dreg:$0x5];
	s2 =	simm.s32 $0x8000  }
0x18: {  	[tilespmem:s2], [sflag:$0x3] =	stream.linear.gather [hbm4b:s13+s5], $0x1000, $0x38;
	[tilespmem:$0x18280] =	vst v63  }
0x19: {  	s14 =	rddreg [dreg:$0x6];
	s15 =	simm.s32 $0x1000  }
0x1a: {  	[tilespmem:s15], [sflag:$0x1] =	stream.linear.gather [hbm4b:s14+s5], $0x1000, $0x38;
	[tilespmem:$0x18280] =	vst v63  }
0x1b: {  	s16 =	rddreg [dreg:$0x7];
	s17 =	simm.s32 $0x9000  }
0x1c: {  	[tilespmem:s17], [sflag:$0x3] =	stream.linear.gather [hbm4b:s16+s5], $0x1000, $0x38;
	[tilespmem:$0x18280] =	vst v63  }
0x1d: {  	s18 =	rddreg [dreg:$0x8];
	s19 =	simm.s32 $0x2000  }
0x1e: {  	[tilespmem:s19], [sflag:$0x1] =	stream.linear.gather [hbm4b:s18+s5], $0x1000, $0x38;
	[tilespmem:$0x18280] =	vst v63  }
0x1f: {  	s20 =	rddreg [dreg:$0x9];
	s21 =	simm.s32 $0xA000  }
0x20: {  	[tilespmem:s21], [sflag:$0x3] =	stream.linear.gather [hbm4b:s20+s5], $0x1000, $0x38;
	[tilespmem:$0x18280] =	vst v63  }
0x21: {  	s28 =	rddreg [dreg:$0xa];
	s29 =	simm.s32 $0x3000  }
0x22: {  	[tilespmem:s29], [sflag:$0x1] =	stream.linear.gather [hbm4b:s28+s5], $0x1000, $0x38;
	[tilespmem:$0x18280] =	vst v63  }
0x23: {  	s30 =	rddreg [dreg:$0xb];
	s31 =	simm.s32 $0xB000;
	s17 =	simm.s32 $0x0  }
0x24: {  	[tilespmem:s31], [sflag:$0x3] =	stream.linear.gather [hbm4b:s30+s5], $0x1000, $0x38;
	[tilespmem:$0x18280] =	vst v63  }
.LBB2_2:
0x25: {  	s19 =	sshllo.u32 s17, $0x1  }
0x26: {  	s0 =	sshll.u32 s19, $0xC  }
0x27: {  	s2 =	sor.u32 s6, s0  }
0x28: {  	s2 =	sshrl.u32 s2, $0x3  }
0x29: {  	s8 =	simm.s32 $0x4000;
	s14 =	sadd.s32 s1, s2  }
0x2a: {  	[tilespmem:s8], [sflag:$0x2] =	stream.linear.gather [hbm4b:s14+s5], $0x1000, $0x38;
	[tilespmem:$0x18280] =	vst v63  }
0x2b: {  	s31 =	simm.s32 $0xC000;
	s2 =	sadd.s32 s3, s2;
	s8 =	sor.u32 s7, s0  }
0x2c: {  	[tilespmem:s31], [sflag:$0x4] =	stream.linear.gather [hbm4b:s2+s5], $0x1000, $0x38;
	[tilespmem:$0x18280] =	vst v63  }
0x2d: {  	s2 =	sshrl.u32 s8, $0x3  }
0x2e: {  	s15 =	simm.s32 $0x5000;
	s13 =	sadd.s32 s1, s2  }
0x2f: {  	[tilespmem:s15], [sflag:$0x2] =	stream.linear.gather [hbm4b:s13+s5], $0x1000, $0x38;
	[tilespmem:$0x18280] =	vst v63  }
0x30: {  	s16 =	simm.s32 $0xD000;
	s18 =	sor.u32 s11, s0;
	s2 =	sadd.s32 s3, s2  }
0x31: {  	[tilespmem:s16], [sflag:$0x4] =	stream.linear.gather [hbm4b:s2+s5], $0x1000, $0x38;
	[tilespmem:$0x18280] =	vst v63  }
0x32: {  	s2 =	sshrl.u32 s18, $0x3  }
0x33: {  	s21 =	simm.s32 $0x6000;
	s0 =	sor.u32 s12, s0;
	s20 =	sadd.s32 s1, s2  }
0x34: {  	[tilespmem:s21], [sflag:$0x2] =	stream.linear.gather [hbm4b:s20+s5], $0x1000, $0x38;
	[tilespmem:$0x18280] =	vst v63  }
0x35: {  	s28 =	simm.s32 $0xE000;
	s0 =	sshrl.u32 s0, $0x3;
	s2 =	sadd.s32 s3, s2  }
0x36: {  	[tilespmem:s28], [sflag:$0x4] =	stream.linear.gather [hbm4b:s2+s5], $0x1000, $0x38;
	[tilespmem:$0x18280] =	vst v63  }
0x37: {  	s30 =	simm.s32 $0x7000;
	s29 =	sadd.s32 s1, s0  }
0x38: {  	[tilespmem:s30], [sflag:$0x2] =	stream.linear.gather [hbm4b:s29+s5], $0x1000, $0x38;
	[tilespmem:$0x18280] =	vst v63  }
0x39: {  	s0 =	sadd.s32 s3, s0;
	s31 =	simm.s32 $0xF000  }
0x3a: {  	[tilespmem:s31], [sflag:$0x4] =	stream.linear.gather [hbm4b:s0+s5], $0x1000, $0x38;
	[tilespmem:$0x18280] =	vst v63  }
0x3b: {  	_ =	swait.ge [sflag:s22], $0x1000  }
0x3c: {  	[sflag:s22] =	ssyncset.done $0x0  }
0x3d: {  	[sflag:s22] =	ssyncadd.s32 $0xFFFFF000  }
0x3e: {  	_ =	swait.ge [sflag:s23], $0x1000  }
0x3f: {  	[sflag:s23] =	ssyncset.done $0x0  }
0x40: {  	[sflag:s23] =	ssyncadd.s32 $0xFFFFF000  }
0x41: {  	_ =	swait.ge [sflag:s22], $0x1000  }
0x42: {  	[sflag:s22] =	ssyncset.done $0x0  }
0x43: {  	[sflag:s22] =	ssyncadd.s32 $0xFFFFF000  }
0x44: {  	_ =	swait.ge [sflag:s23], $0x1000  }
0x45: {  	[sflag:s23] =	ssyncset.done $0x0  }
0x46: {  	[sflag:s23] =	ssyncadd.s32 $0xFFFFF000  }
0x47: {  	_ =	swait.ge [sflag:s22], $0x1000  }
0x48: {  	[sflag:s22] =	ssyncset.done $0x0  }
0x49: {  	[sflag:s22] =	ssyncadd.s32 $0xFFFFF000  }
0x4a: {  	_ =	swait.ge [sflag:s23], $0x1000  }
0x4b: {  	[sflag:s23] =	ssyncset.done $0x0  }
0x4c: {  	[sflag:s23] =	ssyncadd.s32 $0xFFFFF000  }
0x4d: {  	_ =	swait.ge [sflag:s22], $0x1000  }
0x4e: {  	[sflag:s22] =	ssyncset.done $0x0  }
0x4f: {  	[sflag:s22] =	ssyncadd.s32 $0xFFFFF000  }
0x50: {  	_ =	swait.ge [sflag:s23], $0x1000  }
0x51: {  	p0 =	seq.s32 s17, $0x0;
	[sflag:s23] =	ssyncset.done $0x0  }
0x52: {  	s0 =	simm.s32 @!p0 $0x5;
	[sflag:s23] =	ssyncadd.s32 $0xFFFFF000  }
0x53: {  	_ =	swait.ge @!p0 [sflag:s0], $0x4000  }
0x54: {  	s14 =	simm.s32 $0x0;
	[sflag:s0] =	ssyncset.done @!p0 $0x0  }
0x55: {  	s15 =	simm.s32 $0x10040;
	s16 =	simm.s32 $0x0;
	[sflag:s0] =	ssyncadd.s32 @!p0 $0xFFFFC000  }
.LBB2_3:
0x56: {  	s0 =	sshll.u32 s16, $0x7;
	s2 =	sshll.u32 s16, $0x4  }
0x57: {  	s0 =	sand.u32 $0xC00, s0;
	s2 =	sand.u32 $0x70, s2  }
0x58: {  	s20 =	sand.u32 $0x200, s14;
	s28 =	sor.u32 s0, s2  }
0x59: {  	s21 =	sand.u32 $0x3000, s14;
	s0 =	sor.u32 s20, s28  }
0x5a: {  	s0 =	sor.u32 s21, s0  }
0x5b: {  	v12 =	vld [tilespmem:s0+$0x0];
	s2 =	sor.u32 $0x180, s0  }
0x5c: {  	s8 =	sor.u32 $0x8180, s0;
	v3 =	vld [tilespmem:s2+$0x0]  }
0x5d: {  	s20 =	sor.u32 $0x80, s0;
	v4 =	vld [tilespmem:s8+$0x0]  }
0x5e: {  	s13 =	sor.u32 $0x8080, s0;
	v6 =	vld [tilespmem:s20+$0x0]  }
0x5f: {  	s18 =	sor.u32 $0x100, s0;
	v7 =	vld [tilespmem:s13+$0x0];
	s8 =	simm.s32 $0x200  }
0x60: {  	v1 =	vlaneseq.u32;
	s29 =	simm.s32 $0x800;
	s21 =	sor.u32 $0x8100, s0;
	v9 =	vld [tilespmem:s18+$0x0];
	s2 =	sand.u32 $0x200, s8  }
0x61: {  	v10 =	vadd.s32 $0x33, v1;
	s13 =	sand.u32 $0x3000, s29;
	v11 =	vld [tilespmem:s21+$0x0];
	s2 =	sor.u32 s2, s28  }
0x62: {  	v13 =	vadd.s32 $0x11, v1;
	v14 =	vld [tilespmem:s0+$0x8000];
	s30 =	sor.u32 s13, s2  }
0x63: {  	v2 =	vld [tilespmem:s30+$0x0];
	s18 =	sor.u32 $0x180, s30;
	v4 =	vmul.f32 v4, v3;
	v3 =	vadd.s32 $0x22, v1  }
0x64: {  	s20 =	sor.u32 $0x8180, s30;
	v5 =	vld [tilespmem:s18+$0x0]  }
0x65: {  	s2 =	sor.u32 $0x80, s30;
	v7 =	vmul.f32 v7, v6;
	v8 =	vld [tilespmem:s20+$0x0]  }
0x66: {  	s31 =	simm.s32 $0x4;
	s21 =	sor.u32 $0x8080, s30;
	v6 =	vld [tilespmem:s2+$0x0];
	v11 =	vmul.f32 v11, v9;
	[tilespmem:v10+s24+$0x0] =	vst.idx.msk $0xffff, v4;
	v4 =	vadd.s32 $0x44, v1  }
0x67: {  	s0 =	simm.s32 $0x400;
	v12 =	vmul.f32 v14, v12;
	s20 =	sor.u32 $0x100, s30;
	s2 =	sor.u32 $0x8100, s30;
	v9 =	vld [tilespmem:s21+$0x0];
	[tilespmem:v13+s24+$0x0] =	vst.idx.msk $0xffff, v7;
	v7 =	vadd.s32 $0x11, v4;
	v10 =	vadd.s32 $0x33, v4  }
.LBB2_4:
0x68: {  	s21 =	sand.u32 $0x200, s0;
	v13 =	vld [tilespmem:s20+$0x0];
	s29 =	sadd.s32 $0x800, s29;
	[tilespmem:v3+s24+$0x0] =	vst.idx.msk $0xffff, v11;
	v3 =	vadd.s32 $0x22, v4;
	v14 =	vmov v2  }
0x69: {  	s31 =	sadd.s32 $0x4, s31;
	s20 =	sand.u32 $0x3000, s29;
	s21 =	sor.u32 s21, s28;
	v11 =	vld [tilespmem:s2+$0x0];
	[tilespmem:v1+s24+$0x0] =	vst.idx.msk $0xffff, v12;
	v1 =	vmov v4  }
0x6a: {  	v12 =	vld [tilespmem:s30+$0x8000];
	s30 =	sor.u32 s20, s21  }
0x6b: {  	p1 =	slt.u32 s31, $0x1C;
	v8 =	vmul.f32 v8, v5;
	s21 =	sor.u32 $0x80, s30  }
.Ltmp0:
0x6c: {  	v2 =	vld [tilespmem:s30+$0x0];
	s8 =	sor.u32 $0x8080, s30;
	s13 =	sor.u32 $0x180, s30;
	(pc) =	sbr.rel @p1 .LBB2_4-.Ltmp0, $4  }
0x6d: {  	s20 =	sor.u32 $0x100, s30;
	s2 =	sor.u32 $0x8100, s30;
	v5 =	vld [tilespmem:s13+$0x0];
	s13 =	sor.u32 $0x8180, s30;
	v9 =	vmul.f32 v9, v6;
	[tilespmem:v10+s24+$0x0] =	vst.idx.msk $0xffff, v8  }
0x6e: {  	v8 =	vld [tilespmem:s13+$0x0]  }
0x6f: {  	v4 =	vadd.s32 $0x44, v4;
	v6 =	vld [tilespmem:s21+$0x0];
	[tilespmem:v7+s24+$0x0] =	vst.idx.msk $0xffff, v9;
	v11 =	vmul.f32 v11, v13  }
0x70: {  	s0 =	sadd.s32 $0x200, s0;
	v10 =	vadd.s32 $0x33, v4;
	v7 =	vadd.s32 $0x11, v4;
	v9 =	vld [tilespmem:s8+$0x0];
	v12 =	vmul.f32 v12, v14  }
0x71: {  	v13 =	vld [tilespmem:s20+$0x0]  }
0x72: {  	v14 =	vld [tilespmem:s2+$0x0]  }
0x73: {  	v15 =	vld [tilespmem:s30+$0x8000]  }
0x74: {  	v16 =	vadd.s32 $0x22, v4  }
0x75: {  	[tilespmem:v3+s24+$0x0] =	vst.idx.msk $0xffff, v11;
	v3 =	vmul.f32 v8, v5  }
0x76: {  	[tilespmem:v1+s24+$0x0] =	vst.idx.msk $0xffff, v12;
	v5 =	vmul.f32 v9, v6  }
0x77: {  	v1 =	vadd.s32 $0x113, v0;
	[tilespmem:v10+s24+$0x0] =	vst.idx.msk $0xffff, v3;
	v3 =	vmul.f32 v14, v13  }
0x78: {  	v6 =	vadd.s32 $0x3, v0;
	[tilespmem:v7+s24+$0x0] =	vst.idx.msk $0xffff, v5;
	v5 =	vmul.f32 v15, v2  }
0x79: {  	v2 =	vadd.s32 $0x110, v0;
	[tilespmem:v16+s24+$0x0] =	vst.idx.msk $0xffff, v3  }
0x7a: {  	[tilespmem:v4+s24+$0x0] =	vst.idx.msk $0xffff, v5;
	v5 =	vadd.s32 $0x2, v0  }
0x7b: {  	v3 =	vadd.s32 $0x1, v0;
	v13 =	vld.idx.msk [tilespmem:v0+s24+$0x0], $0xffff  }
0x7c: {  	v4 =	vadd.s32 $0x111, v0;
	v12 =	vld.idx.msk [tilespmem:v1+s24+$0x0], $0xffff  }
0x7d: {  	v7 =	vadd.s32 $0x112, v0;
	v16 =	vld.idx.msk [tilespmem:v6+s24+$0x0], $0xffff  }
0x7e: {  	v8 =	vadd.s32 $0x4, v0;
	v15 =	vld.idx.msk [tilespmem:v2+s24+$0x0], $0xffff  }
0x7f: {  	v9 =	vadd.s32 $0x113, v8;
	v22 =	vld.idx.msk [tilespmem:v5+s24+$0x0], $0xffff  }
0x80: {  	v10 =	vadd.s32 $0x110, v8;
	v17 =	vld.idx.msk [tilespmem:v3+s24+$0x0], $0xffff  }
0x81: {  	v11 =	vadd.s32 $0x1, v8;
	v20 =	vld.idx.msk [tilespmem:v4+s24+$0x0], $0xffff  }
0x82: {  	v19 =	vadd.s32 $0x111, v8;
	v18 =	vld.idx.msk [tilespmem:v7+s24+$0x0], $0xffff;
	[tilespmem:s15+$0x30] =	vst v12  }
0x83: {  	v21 =	vadd.s32 $0x2, v8;
	v14 =	vld.idx.msk [tilespmem:v8+s24+$0x0], $0xffff;
	v12 =	vadd.s32 $0x112, v8;
	[tilespmem:s15+$0xFFFFFFD0] =	vst v15  }
0x84: {  	v15 =	vld.idx.msk [tilespmem:v9+s24+$0x0], $0xffff;
	[tilespmem:s15+$0x0] =	vst v22;
	v22 =	vmov v12  }
0x85: {  	v24 =	vadd.s32 $0x3, v8;
	[tilespmem:s15+$0xFFFFFFE0] =	vst v17;
	v17 =	vld.idx.msk [tilespmem:v10+s24+$0x0], $0xffff  }
0x86: {  	s2 =	simm.s32 $0x4;
	s0 =	smov.u32 s15;
	v23 =	vadd.s32 $0x4, v8;
	[tilespmem:s15+$0xFFFFFFF0] =	vst v20;
	v20 =	vld.idx.msk [tilespmem:v11+s24+$0x0], $0xffff  }
.LBB2_6:
0x87: {  	v25 =	vadd.s32 $0x110, v23;
	v26 =	vadd.s32 $0x1, v23;
	v27 =	vadd.s32 $0x113, v23;
	s2 =	sadd.s32 $0x4, s2;
	v28 =	vld.idx.msk [tilespmem:v19+s24+$0x0], $0xffff;
	[tilespmem:s0+$0x10] =	vst v18  }
0x88: {  	v19 =	vadd.s32 $0x111, v23;
	v29 =	vadd.s32 $0x112, v23;
	p1 =	slt.u32 s2, $0xC;
	v30 =	vld.idx.msk [tilespmem:v21+s24+$0x0], $0xffff;
	v21 =	vadd.s32 $0x2, v23;
	[tilespmem:s0+$0x20] =	vst v16  }
0x89: {  	v18 =	vld.idx.msk [tilespmem:v22+s24+$0x0], $0xffff;
	[tilespmem:s0+$0xFFFFFFC0] =	vst v13;
	s0 =	sadd.s32 $0x80, s0;
	v22 =	vmov v29;
	v13 =	vmov v14  }
.Ltmp1:
0x8a: {  	v16 =	vld.idx.msk [tilespmem:v24+s24+$0x0], $0xffff;
	[tilespmem:s0+$0x30] =	vst v15;
	(pc) =	sbr.rel @p1 .LBB2_6-.Ltmp1, $4  }
0x8b: {  	v14 =	vld.idx.msk [tilespmem:v23+s24+$0x0], $0xffff;
	[tilespmem:s0+$0xFFFFFFD0] =	vst v17  }
0x8c: {  	v15 =	vld.idx.msk [tilespmem:v27+s24+$0x0], $0xffff;
	[tilespmem:s0+$0xFFFFFFE0] =	vst v20  }
0x8d: {  	v24 =	vadd.s32 $0x3, v23;
	v17 =	vld.idx.msk [tilespmem:v25+s24+$0x0], $0xffff;
	[tilespmem:s0+$0xFFFFFFF0] =	vst v28  }
0x8e: {  	v23 =	vadd.s32 $0x4, v23;
	v20 =	vld.idx.msk [tilespmem:v26+s24+$0x0], $0xffff;
	[tilespmem:s0+$0x0] =	vst v30  }
0x8f: {  	_ =	sdelay $0x2  }
0x90: {  	[tilespmem:s0+$0x10] =	vst v18  }
0x91: {  	v19 =	vld.idx.msk [tilespmem:v19+s24+$0x0], $0xffff;
	[tilespmem:s0+$0x20] =	vst v16  }
0x92: {  	v62 =	vld.idx.msk [tilespmem:v21+s24+$0x0], $0xffff;
	[tilespmem:s0+$0xFFFFFFC0] =	vst v13;
	s31 =	sadd.s32 $0x80, s0  }
0x93: {  	v13 =	vld.idx.msk [tilespmem:v24+s24+$0x0], $0xffff;
	[tilespmem:s31+$0xFFFFFFC0] =	vst v14  }
0x94: {  	v63 =	vld.idx.msk [tilespmem:v22+s24+$0x0], $0xffff;
	s16 =	sadd.s32 $0x1, s16;
	[tilespmem:s31+$0x30] =	vst v15  }
0x95: {  	p1 =	sne.s32 s16, $0x20;
	[tilespmem:s31+$0xFFFFFFD0] =	vst v17  }
.Ltmp2:
0x96: {  	[tilespmem:s31+$0xFFFFFFE0] =	vst v20;
	(pc) =	sbr.rel @p1 .LBB2_3-.Ltmp2, $4  }
0x97: {  	[tilespmem:s31+$0xFFFFFFF0] =	vst v19  }
0x98: {  	[tilespmem:s31+$0x0] =	vst v62  }
0x99: {  	[tilespmem:s31+$0x10] =	vst v63  }
0x9a: {  	s15 =	sadd.s32 $0x200, s15;
	[tilespmem:s31+$0x20] =	vst v13  }
0x9b: {  	s0 =	sshll.u32 s17, $0xC;
	s2 =	sshll.u32 s17, $0x5  }
0x9c: {  	s8 =	rddreg [dreg:$0xc];
	s0 =	sand.u32 $0xC000, s0;
	s2 =	sand.u32 $0x60, s2  }
0x9d: {  	s14 =	sor.u32 s8, s0;
	s30 =	sadd.s32 s4, s2  }
0x9e: {  	s31 =	simm.s32 $0x10000;
	p1 =	seq.s32 s17, $0xF;
	s0 =	sadd.s32 s14, s30  }
0x9f: {  	[hbm4b:s0+s25] =	stream.strided.scatter [tilespmem:s31], [sflag:$0x5], $0x4000, s26, s25, $0x38;
	[tilespmem:$0x18280] =	vst v63  }
0xa0: {  	s0 =	sshll.u32 @!p1 s17, $0xD  }
0xa1: {  	s0 =	sadd.s32 @!p1 $0x2000, s0  }
0xa2: {  	s2 =	sadd.s32 @!p1 s6, s0  }
0xa3: {  	s2 =	sshrl.u32 @!p1 s2, $0x3  }
0xa4: {  	s13 =	simm.s32 @!p1 $0x0;
	s8 =	sadd.s32 @!p1 s1, s2  }
0xa5: {  	[tilespmem:s13], [sflag:$0x1] =	stream.linear.gather @!p1 [hbm4b:s8+s13], $0x1000, $0x38;
	[tilespmem:$0x18280] =	vst v63  }
0xa6: {  	s2 =	sadd.s32 @!p1 s3, s2;
	s8 =	simm.s32 @!p1 $0x8000  }
0xa7: {  	[tilespmem:s8], [sflag:$0x3] =	stream.linear.gather @!p1 [hbm4b:s2+s13], $0x1000, $0x38;
	[tilespmem:$0x18280] =	vst v63  }
0xa8: {  	s2 =	sadd.s32 @!p1 s7, s0  }
0xa9: {  	s2 =	sshrl.u32 @!p1 s2, $0x3  }
0xaa: {  	s15 =	simm.s32 @!p1 $0x1000;
	s8 =	sadd.s32 @!p1 s1, s2  }
0xab: {  	[tilespmem:s15], [sflag:$0x1] =	stream.linear.gather @!p1 [hbm4b:s8+s13], $0x1000, $0x38;
	[tilespmem:$0x18280] =	vst v63  }
0xac: {  	s2 =	sadd.s32 @!p1 s3, s2;
	s8 =	simm.s32 @!p1 $0x9000  }
0xad: {  	[tilespmem:s8], [sflag:$0x3] =	stream.linear.gather @!p1 [hbm4b:s2+s13], $0x1000, $0x38;
	[tilespmem:$0x18280] =	vst v63  }
0xae: {  	s2 =	sadd.s32 @!p1 s11, s0  }
0xaf: {  	s2 =	sshrl.u32 @!p1 s2, $0x3  }
0xb0: {  	s15 =	simm.s32 @!p1 $0x2000;
	s0 =	sadd.s32 @!p1 s12, s0;
	s8 =	sadd.s32 @!p1 s1, s2  }
0xb1: {  	[tilespmem:s15], [sflag:$0x1] =	stream.linear.gather @!p1 [hbm4b:s8+s13], $0x1000, $0x38;
	[tilespmem:$0x18280] =	vst v63  }
0xb2: {  	s0 =	sshrl.u32 @!p1 s0, $0x3;
	s2 =	sadd.s32 @!p1 s3, s2;
	s8 =	simm.s32 @!p1 $0xA000  }
0xb3: {  	[tilespmem:s8], [sflag:$0x3] =	stream.linear.gather @!p1 [hbm4b:s2+s13], $0x1000, $0x38;
	[tilespmem:$0x18280] =	vst v63  }
0xb4: {  	s2 =	sadd.s32 @!p1 s1, s0;
	s8 =	simm.s32 @!p1 $0x3000  }
0xb5: {  	[tilespmem:s8], [sflag:$0x1] =	stream.linear.gather @!p1 [hbm4b:s2+s13], $0x1000, $0x38;
	[tilespmem:$0x18280] =	vst v63  }
0xb6: {  	s0 =	sadd.s32 @!p1 s3, s0;
	s2 =	simm.s32 @!p1 $0xB000  }
0xb7: {  	[tilespmem:s2], [sflag:$0x3] =	stream.linear.gather @!p1 [hbm4b:s0+s13], $0x1000, $0x38;
	[tilespmem:$0x18280] =	vst v63  }
0xb8: {  	_ =	swait.ge [sflag:s9], $0x1000  }
0xb9: {  	[sflag:s9] =	ssyncset.done $0x0  }
0xba: {  	[sflag:s9] =	ssyncadd.s32 $0xFFFFF000  }
0xbb: {  	_ =	swait.ge [sflag:s10], $0x1000  }
0xbc: {  	[sflag:s10] =	ssyncset.done $0x0  }
0xbd: {  	[sflag:s10] =	ssyncadd.s32 $0xFFFFF000  }
0xbe: {  	_ =	swait.ge [sflag:s9], $0x1000  }
0xbf: {  	[sflag:s9] =	ssyncset.done $0x0  }
0xc0: {  	[sflag:s9] =	ssyncadd.s32 $0xFFFFF000  }
0xc1: {  	_ =	swait.ge [sflag:s10], $0x1000  }
0xc2: {  	[sflag:s10] =	ssyncset.done $0x0  }
0xc3: {  	[sflag:s10] =	ssyncadd.s32 $0xFFFFF000  }
0xc4: {  	_ =	swait.ge [sflag:s9], $0x1000  }
0xc5: {  	[sflag:s9] =	ssyncset.done $0x0  }
0xc6: {  	[sflag:s9] =	ssyncadd.s32 $0xFFFFF000  }
0xc7: {  	_ =	swait.ge [sflag:s10], $0x1000  }
0xc8: {  	[sflag:s10] =	ssyncset.done $0x0  }
0xc9: {  	[sflag:s10] =	ssyncadd.s32 $0xFFFFF000  }
0xca: {  	_ =	swait.ge [sflag:s9], $0x1000  }
0xcb: {  	[sflag:s9] =	ssyncset.done $0x0  }
0xcc: {  	[sflag:s9] =	ssyncadd.s32 $0xFFFFF000  }
0xcd: {  	_ =	swait.ge [sflag:s10], $0x1000  }
0xce: {  	[sflag:s10] =	ssyncset.done $0x0  }
0xcf: {  	s0 =	simm.s32 @!p0 $0x6;
	[sflag:s10] =	ssyncadd.s32 $0xFFFFF000  }
0xd0: {  	_ =	swait.ge @!p0 [sflag:s0], $0x4000  }
0xd1: {  	s18 =	smov.u32 s4;
	s16 =	simm.s32 $0x14040;
	[sflag:s0] =	ssyncset.done @!p0 $0x0  }
0xd2: {  	s28 =	simm.s32 $0x0;
	s15 =	simm.s32 $0x0;
	[sflag:s0] =	ssyncadd.s32 @!p0 $0xFFFFC000  }
.LBB2_9:
0xd3: {  	s0 =	sshll.u32 s28, $0x7;
	s2 =	sshll.u32 s28, $0x4  }
0xd4: {  	s0 =	sand.u32 $0xC00, s0;
	s2 =	sand.u32 $0x70, s2  }
0xd5: {  	s20 =	sand.u32 $0x200, s15;
	s29 =	sor.u32 s0, s2  }
0xd6: {  	s21 =	sand.u32 $0x3000, s15;
	s0 =	sor.u32 s20, s29  }
0xd7: {  	s0 =	sor.u32 s21, s0  }
0xd8: {  	v24 =	vld [tilespmem:s0+$0x4000];
	s2 =	sor.u32 $0x4180, s0  }
0xd9: {  	s4 =	sor.u32 $0xC180, s0;
	v14 =	vld [tilespmem:s2+$0x0]  }
0xda: {  	s8 =	sor.u32 $0x4080, s0;
	v16 =	vld [tilespmem:s4+$0x0]  }
0xdb: {  	s13 =	sor.u32 $0xC080, s0;
	v18 =	vld [tilespmem:s8+$0x0]  }
0xdc: {  	s21 =	simm.s32 $0x200;
	s20 =	sor.u32 $0x4100, s0;
	v19 =	vld [tilespmem:s13+$0x0]  }
0xdd: {  	v13 =	vlaneseq.u32;
	s30 =	simm.s32 $0x800;
	s13 =	sor.u32 $0xC100, s0;
	s2 =	sand.u32 $0x200, s21;
	v21 =	vld [tilespmem:s20+$0x0]  }
0xde: {  	v22 =	vadd.s32 $0x33, v13;
	s4 =	sand.u32 $0x3000, s30;
	s2 =	sor.u32 s2, s29;
	v23 =	vld [tilespmem:s13+$0x0]  }
0xdf: {  	v25 =	vadd.s32 $0x11, v13;
	v26 =	vld [tilespmem:s0+$0xC000];
	s31 =	sor.u32 s4, s2  }
0xe0: {  	v15 =	vld [tilespmem:s31+$0x4000];
	s20 =	sor.u32 $0x4180, s31;
	v14 =	vmul.f32 v16, v14;
	v16 =	vadd.s32 $0x22, v13  }
0xe1: {  	s21 =	sor.u32 $0xC180, s31;
	v17 =	vld [tilespmem:s20+$0x0]  }
0xe2: {  	s2 =	sor.u32 $0x4080, s31;
	v20 =	vld [tilespmem:s21+$0x0];
	v19 =	vmul.f32 v19, v18  }
0xe3: {  	s0 =	simm.s32 $0x4;
	s8 =	sor.u32 $0xC080, s31;
	v18 =	vld [tilespmem:s2+$0x0];
	v23 =	vmul.f32 v23, v21;
	[tilespmem:v22+s24+$0x0] =	vst.idx.msk $0xffff, v14;
	v14 =	vadd.s32 $0x44, v13  }
0xe4: {  	s21 =	sor.u32 $0x4100, s31;
	s20 =	sor.u32 $0xC100, s31;
	v24 =	vmul.f32 v26, v24;
	s2 =	simm.s32 $0x400;
	v21 =	vld [tilespmem:s8+$0x0];
	[tilespmem:v25+s24+$0x0] =	vst.idx.msk $0xffff, v19;
	v19 =	vadd.s32 $0x11, v14;
	v22 =	vadd.s32 $0x33, v14  }
.LBB2_10:
0xe5: {  	s8 =	sand.u32 $0x200, s2;
	v25 =	vld [tilespmem:s21+$0x0];
	s30 =	sadd.s32 $0x800, s30;
	[tilespmem:v16+s24+$0x0] =	vst.idx.msk $0xffff, v23;
	v16 =	vadd.s32 $0x22, v14;
	v26 =	vmov v15  }
0xe6: {  	s0 =	sadd.s32 $0x4, s0;
	s13 =	sand.u32 $0x3000, s30;
	s8 =	sor.u32 s8, s29;
	v23 =	vld [tilespmem:s20+$0x0];
	[tilespmem:v13+s24+$0x0] =	vst.idx.msk $0xffff, v24;
	v13 =	vmov v14  }
0xe7: {  	v24 =	vld [tilespmem:s31+$0xC000];
	s31 =	sor.u32 s13, s8  }
0xe8: {  	p0 =	slt.u32 s0, $0x1C;
	v20 =	vmul.f32 v20, v17;
	s8 =	sor.u32 $0x4080, s31  }
.Ltmp3:
0xe9: {  	v15 =	vld [tilespmem:s31+$0x4000];
	s13 =	sor.u32 $0xC080, s31;
	s4 =	sor.u32 $0x4180, s31;
	(pc) =	sbr.rel @p0 .LBB2_10-.Ltmp3, $4  }
0xea: {  	s21 =	sor.u32 $0x4100, s31;
	s20 =	sor.u32 $0xC100, s31;
	v17 =	vld [tilespmem:s4+$0x0];
	s4 =	sor.u32 $0xC180, s31;
	v21 =	vmul.f32 v21, v18;
	[tilespmem:v22+s24+$0x0] =	vst.idx.msk $0xffff, v20  }
0xeb: {  	v20 =	vld [tilespmem:s4+$0x0]  }
0xec: {  	v14 =	vadd.s32 $0x44, v14;
	v18 =	vld [tilespmem:s8+$0x0];
	[tilespmem:v19+s24+$0x0] =	vst.idx.msk $0xffff, v21;
	v23 =	vmul.f32 v23, v25  }
0xed: {  	s2 =	sadd.s32 $0x200, s2;
	v22 =	vadd.s32 $0x33, v14;
	v19 =	vadd.s32 $0x11, v14;
	v21 =	vld [tilespmem:s13+$0x0];
	v24 =	vmul.f32 v24, v26  }
0xee: {  	v25 =	vld [tilespmem:s21+$0x0]  }
0xef: {  	v26 =	vld [tilespmem:s20+$0x0]  }
0xf0: {  	v27 =	vld [tilespmem:s31+$0xC000]  }
0xf1: {  	v28 =	vadd.s32 $0x22, v14  }
0xf2: {  	[tilespmem:v16+s24+$0x0] =	vst.idx.msk $0xffff, v23;
	v16 =	vmul.f32 v20, v17  }
0xf3: {  	[tilespmem:v13+s24+$0x0] =	vst.idx.msk $0xffff, v24;
	v13 =	vmul.f32 v21, v18  }
0xf4: {  	[tilespmem:v22+s24+$0x0] =	vst.idx.msk $0xffff, v16;
	v16 =	vmul.f32 v26, v25  }
0xf5: {  	[tilespmem:v19+s24+$0x0] =	vst.idx.msk $0xffff, v13;
	v13 =	vmul.f32 v27, v15  }
0xf6: {  	[tilespmem:v28+s24+$0x0] =	vst.idx.msk $0xffff, v16  }
0xf7: {  	[tilespmem:v14+s24+$0x0] =	vst.idx.msk $0xffff, v13  }
0xf8: {  	v14 =	vld.idx.msk [tilespmem:v0+s24+$0x0], $0xffff  }
0xf9: {  	v13 =	vld.idx.msk [tilespmem:v1+s24+$0x0], $0xffff  }
0xfa: {  	v15 =	vld.idx.msk [tilespmem:v2+s24+$0x0], $0xffff  }
0xfb: {  	v16 =	vld.idx.msk [tilespmem:v3+s24+$0x0], $0xffff  }
0xfc: {  	v22 =	vld.idx.msk [tilespmem:v5+s24+$0x0], $0xffff  }
0xfd: {  	v19 =	vld.idx.msk [tilespmem:v4+s24+$0x0], $0xffff  }
0xfe: {  	v17 =	vld.idx.msk [tilespmem:v6+s24+$0x0], $0xffff  }
0xff: {  	v20 =	vadd.s32 $0x111, v8;
	v18 =	vld.idx.msk [tilespmem:v7+s24+$0x0], $0xffff;
	[tilespmem:s16+$0x30] =	vst v13  }
0x100: {  	v21 =	vadd.s32 $0x2, v8;
	v13 =	vld.idx.msk [tilespmem:v8+s24+$0x0], $0xffff;
	[tilespmem:s16+$0xFFFFFFD0] =	vst v15  }
0x101: {  	v15 =	vld.idx.msk [tilespmem:v9+s24+$0x0], $0xffff;
	[tilespmem:s16+$0x0] =	vst v22;
	v22 =	vmov v12  }
0x102: {  	v24 =	vadd.s32 $0x3, v8;
	[tilespmem:s16+$0xFFFFFFE0] =	vst v16;
	v16 =	vld.idx.msk [tilespmem:v10+s24+$0x0], $0xffff  }
0x103: {  	s2 =	simm.s32 $0x4;
	v23 =	vadd.s32 $0x4, v8;
	s0 =	smov.u32 s16;
	[tilespmem:s16+$0xFFFFFFF0] =	vst v19;
	v19 =	vld.idx.msk [tilespmem:v11+s24+$0x0], $0xffff  }
.LBB2_12:
0x104: {  	v25 =	vadd.s32 $0x110, v23;
	v26 =	vadd.s32 $0x1, v23;
	v27 =	vadd.s32 $0x113, v23;
	s2 =	sadd.s32 $0x4, s2;
	v28 =	vld.idx.msk [tilespmem:v20+s24+$0x0], $0xffff;
	[tilespmem:s0+$0x10] =	vst v18  }
0x105: {  	v20 =	vadd.s32 $0x111, v23;
	v29 =	vadd.s32 $0x112, v23;
	p0 =	slt.u32 s2, $0xC;
	v30 =	vld.idx.msk [tilespmem:v21+s24+$0x0], $0xffff;
	v21 =	vadd.s32 $0x2, v23;
	[tilespmem:s0+$0x20] =	vst v17  }
0x106: {  	v18 =	vld.idx.msk [tilespmem:v22+s24+$0x0], $0xffff;
	[tilespmem:s0+$0xFFFFFFC0] =	vst v14;
	s0 =	sadd.s32 $0x80, s0;
	v22 =	vmov v29;
	v14 =	vmov v13  }
.Ltmp4:
0x107: {  	v17 =	vld.idx.msk [tilespmem:v24+s24+$0x0], $0xffff;
	[tilespmem:s0+$0x30] =	vst v15;
	(pc) =	sbr.rel @p0 .LBB2_12-.Ltmp4, $4  }
0x108: {  	v13 =	vld.idx.msk [tilespmem:v23+s24+$0x0], $0xffff;
	[tilespmem:s0+$0xFFFFFFD0] =	vst v16  }
0x109: {  	v15 =	vld.idx.msk [tilespmem:v27+s24+$0x0], $0xffff;
	[tilespmem:s0+$0xFFFFFFE0] =	vst v19  }
0x10a: {  	v24 =	vadd.s32 $0x3, v23;
	v16 =	vld.idx.msk [tilespmem:v25+s24+$0x0], $0xffff;
	[tilespmem:s0+$0xFFFFFFF0] =	vst v28  }
0x10b: {  	v23 =	vadd.s32 $0x4, v23;
	v19 =	vld.idx.msk [tilespmem:v26+s24+$0x0], $0xffff;
	[tilespmem:s0+$0x0] =	vst v30  }
0x10c: {  	_ =	sdelay $0x2  }
0x10d: {  	[tilespmem:s0+$0x10] =	vst v18  }
0x10e: {  	v20 =	vld.idx.msk [tilespmem:v20+s24+$0x0], $0xffff;
	[tilespmem:s0+$0x20] =	vst v17  }
0x10f: {  	v62 =	vld.idx.msk [tilespmem:v21+s24+$0x0], $0xffff;
	[tilespmem:s0+$0xFFFFFFC0] =	vst v14;
	s31 =	sadd.s32 $0x80, s0  }
0x110: {  	v14 =	vld.idx.msk [tilespmem:v24+s24+$0x0], $0xffff;
	[tilespmem:s31+$0xFFFFFFC0] =	vst v13  }
0x111: {  	v63 =	vld.idx.msk [tilespmem:v22+s24+$0x0], $0xffff;
	s28 =	sadd.s32 $0x1, s28;
	[tilespmem:s31+$0x30] =	vst v15  }
0x112: {  	p0 =	sne.s32 s28, $0x20;
	[tilespmem:s31+$0xFFFFFFD0] =	vst v16  }
.Ltmp5:
0x113: {  	[tilespmem:s31+$0xFFFFFFE0] =	vst v19;
	(pc) =	sbr.rel @p0 .LBB2_9-.Ltmp5, $4  }
0x114: {  	[tilespmem:s31+$0xFFFFFFF0] =	vst v20  }
0x115: {  	[tilespmem:s31+$0x0] =	vst v62  }
0x116: {  	[tilespmem:s31+$0x10] =	vst v63  }
0x117: {  	s16 =	sadd.s32 $0x200, s16;
	[tilespmem:s31+$0x20] =	vst v14  }
0x118: {  	s17 =	sadd.s32 $0x1, s17  }
0x119: {  	p0 =	sne.s32 s17, $0x10  }
.Ltmp6:
0x11a: {  	_ = 	snop;
	(pc) =	sbr.rel @p0 .LBB2_2-.Ltmp6, $4  }
0x11b: {  	s0 =	sshll.u32 s19, $0x4  }
0x11c: {  	s2 =	sadd.s32 s18, s14;
	s0 =	sand.u32 $0x70, s0  }
0x11d: {  	s4 =	smov.u32 s18;
	s31 =	simm.s32 $0x14000;
	s0 =	sadd.s32 s0, s2  }
0x11e: {  	[hbm4b:s0+s25] =	stream.strided.scatter [tilespmem:s31], [sflag:$0x6], $0x4000, s26, s25, $0x38;
	[tilespmem:$0x18280] =	vst v63  }
0x11f: {  	s0 =	simm.s32 $0x5  }
0x120: {  	_ =	swait.ge [sflag:s0], $0x4000  }
0x121: {  	[sflag:s0] =	ssyncset.done $0x0  }
0x122: {  	s2 =	simm.s32 $0x6;
	[sflag:s0] =	ssyncadd.s32 $0xFFFFC000  }
0x123: {  	_ =	swait.ge [sflag:s2], $0x4000  }
0x124: {  	s8 =	rddreg [dreg:$0xe]  }
0x125: {  	s31 =	rddreg [dreg:$0xd];
	s8 =	sadd.s32 $0x1, s8  }
0x126: {  	p0 =	sne.s32 s8, s31  }
.Ltmp7:
0x127: {  	_ = 	snop;
	(pc) =	sbr.rel @p0 .LBB2_1-.Ltmp7, $3  }
0x128: {  	_ =	sdelay $0x1  }
0x129: {  	[sflag:s2] =	ssyncset.done $0x0  }
0x12a: {  	[sflag:s2] =	ssyncadd.s32 $0xFFFFC000  }
0x12b: {  	_ =	sfence.sel $0x180000  }
0x12c: {  	[bflag:$0x0] =	sbarrier.arrive $0xFFFF  }
0x12d: {  	_ =	strace $0x90000047  }
0x12e: {  	s0 =	stileid.u32;
	[bflag:$0x2] =	sbarrier.arrive $0xFFFF  }
0x12f: {  	p0 =	sne.s32 s0, $0x0;
	s0 =	rddreg [dreg:$0x3]  }
0x130: {  	s0 =	sadd.s32 @!p0 $0x100000, s0  }
0x131: {  	[sflag:s0] =	ssyncadd.tile.s32 @!p0 $0x1;
	_ =	shalt  }
.Lfunc_end2:
_tile_overlayer_lowered:
.L_overlay_start_2:
0x132: {  	(tag) =	ssettag $0x2  }
0x133: {  	s0 =	rddreg [dreg:$0x0];
	s2 =	stileid.u32  }
0x134: {  	s1 =	rddreg [dreg:$0x1];
	p0 =	sne.s32 s2, $0x0  }
0x135: {  	s3 =	rddreg [dreg:$0x2];
	[bflag:$0x3] =	sbarrier.arrive $0xFFFF;
	s2 =	simm.s32 @!p0 $0x1C07  }
0x136: {  	[timem:s3], [sflag:s2] =	dma.local @!p0 [hbm:s0], s1  }
0x137: {  	s0 =	simm.s32 @!p0 $0x7  }
0x138: {  	_ =	swait.ge @!p0 [sflag:s0], s1  }
0x139: {  	s1 =	ssub.s32 @!p0 $0x0, s1;
	[sflag:s0] =	ssyncset.done @!p0 $0x0  }
0x13a: {  	[sflag:s0] =	ssyncadd.s32 @!p0 s1  }
0x13b: {  	[bflag:$0x3] =	sbarrier.arrive $0xFFFF  }
0x13c: {  	_ =	shalt  }

</sc_bundles>
